<compile_context>
chip_gen: v7x
topology: tpu7x:2x2x1
jax: 0.10.2.dev20260603
libtpu: 0.0.44.dev20260713+nightly
codegen_flags: <defaults>
</compile_context>

<pallas_src>
import functools

import jax
import jax.numpy as jnp
from jax import lax
from jax.experimental import pallas as pl
from jax.experimental.pallas import tpu as pltpu
from jax.experimental.pallas import tpu_sc as plsc

N = 100000
F_IN = 128
H = 64
K = 5
NCLS = 16

NP = 131072
SROWS = 1024
SCOLS = 128
LOGN = 17

BLK1 = 4096
NA = 25 * BLK1

BP = 102400
NW = 32
ROWS_PER_W = BP // NW
CH = 128
NCHUNK = ROWS_PER_W // CH
NIR = BP // SCOLS

RC = 4096


def _dense_body(x_ref, w1_ref, b1_ref, w2_ref, b2_ref, wa_ref, ba_ref,
                h_ref, a_ref):
    xb = x_ref[...]
    h1 = lax.dot_general(xb, w1_ref[...], (((1,), (1,)), ((), ())),
                         preferred_element_type=jnp.float32)
    h1 = jnp.maximum(h1 + b1_ref[...], 0.0)
    h = lax.dot_general(h1, w2_ref[...], (((1,), (1,)), ((), ())),
                        preferred_element_type=jnp.float32)
    h = h + b2_ref[...]
    aT = lax.dot_general(wa_ref[...], h, (((1,), (1,)), ((), ())),
                         preferred_element_type=jnp.float32) + ba_ref[0, 0]
    a_col = jnp.sum(h * wa_ref[...], axis=1, keepdims=True) + ba_ref[0, 0]
    h_ref[...] = jnp.concatenate(
        [h, a_col, jnp.zeros((BLK1, F_IN - H - 1), jnp.float32)], axis=1)
    a_ref[...] = aT[None]


def _dense(x, W1, b1, W2, b2, Wa, ba):
    nblk = NA // BLK1
    return pl.pallas_call(
        _dense_body,
        grid=(nblk,),
        in_specs=[
            pl.BlockSpec((BLK1, F_IN), lambda i: (i, 0)),
            pl.BlockSpec((H, F_IN), lambda i: (0, 0)),
            pl.BlockSpec((1, H), lambda i: (0, 0)),
            pl.BlockSpec((H, H), lambda i: (0, 0)),
            pl.BlockSpec((1, H), lambda i: (0, 0)),
            pl.BlockSpec((1, H), lambda i: (0, 0)),
            pl.BlockSpec((1, 1), lambda i: (0, 0)),
        ],
        out_specs=[
            pl.BlockSpec((BLK1, F_IN), lambda i: (i, 0)),
            pl.BlockSpec((1, 1, BLK1), lambda i: (i, 0, 0)),
        ],
        out_shape=[
            jax.ShapeDtypeStruct((N, F_IN), jnp.float32),
            jax.ShapeDtypeStruct((nblk, 1, BLK1), jnp.float32),
        ],
    )(x, W1, b1.reshape(1, H), W2, b2.reshape(1, H), Wa, ba.reshape(1, 1))


def _sort_body(a_ref, sg_ref, ss_ref):
    a_used = jnp.reshape(a_ref[...], (NA // SCOLS, SCOLS))
    keys = jnp.concatenate(
        [a_used, jnp.zeros((SROWS - NA // SCOLS, SCOLS), jnp.float32)], axis=0)
    r_iota = lax.broadcasted_iota(jnp.int32, (SROWS, SCOLS), 0)
    c_iota = lax.broadcasted_iota(jnp.int32, (SROWS, SCOLS), 1)
    flat = r_iota * SCOLS + c_iota
    keys = jnp.where(flat < N, -keys, jnp.inf)
    idx = flat

    def ce(carry, stage_k, j, axis):
        kk, ii = carry
        d = jnp.left_shift(1, j)
        if axis == 0:
            s = lax.shift_right_logical(d, 7)
            size = SROWS
        else:
            s = d
            size = SCOLS
        bit = (flat & d) != 0
        asc = ((lax.shift_right_logical(flat, stage_k) & 1) == 0)
        kp_hi = pltpu.roll(kk, size - s, axis)
        kp_lo = pltpu.roll(kk, s, axis)
        ip_hi = pltpu.roll(ii, size - s, axis)
        ip_lo = pltpu.roll(ii, s, axis)
        kp = jnp.where(bit, kp_lo, kp_hi)
        ip = jnp.where(bit, ip_lo, ip_hi)
        self_lt = (kk < kp) | ((kk == kp) & (ii < ip))
        take_min = (jnp.logical_not(bit) == asc)
        keep = (take_min == self_lt)
        return (jnp.where(keep, kk, kp), jnp.where(keep, ii, ip))

    def stage(stage_k, carry):
        def sub_step(t, c):
            return ce(c, stage_k, stage_k - 1 - t, 0)

        carry = lax.fori_loop(0, jnp.maximum(stage_k - 7, 0), sub_step, carry)

        def lane_step(t, c):
            return ce(c, stage_k, jnp.minimum(stage_k, 7) - 1 - t, 1)

        carry = lax.fori_loop(0, jnp.minimum(stage_k, 7), lane_step, carry)
        return carry

    keys, idx = lax.fori_loop(1, LOGN + 1, stage, (keys, idx))
    sg_ref[...] = jnp.where(idx < N, idx, idx - N)[:NIR]
    ss_ref[...] = idx[:NIR]


def _sort(a3):
    return pl.pallas_call(
        _sort_body,
        in_specs=[pl.BlockSpec((NA // BLK1, 1, BLK1), lambda: (0, 0, 0))],
        out_specs=[
            pl.BlockSpec((NIR, SCOLS), lambda: (0, 0)),
            pl.BlockSpec((NIR, SCOLS), lambda: (0, 0)),
        ],
        out_shape=[
            jax.ShapeDtypeStruct((NIR, SCOLS), jnp.int32),
            jax.ShapeDtypeStruct((NIR, SCOLS), jnp.int32),
        ],
    )(a3)


@functools.lru_cache(maxsize=None)
def _sc_kernels():
    mesh = plsc.VectorSubcoreMesh(core_axis_name="c", subcore_axis_name="s")

    @functools.partial(
        pl.kernel,
        out_type=jax.ShapeDtypeStruct((BP, F_IN), jnp.float32),
        mesh=mesh,
        scratch_types=[
            pltpu.VMEM((NCHUNK, CH), jnp.int32),
            pltpu.VMEM((CH, F_IN), jnp.float32),
            pltpu.VMEM((CH, F_IN), jnp.float32),
            pltpu.SemaphoreType.DMA,
            pltpu.SemaphoreType.DMA,
        ],
        compiler_params=pltpu.CompilerParams(use_tc_tiling_on_sc=True),
    )
    def gather_k(h_hbm, idx_hbm, out_hbm, idx_v, buf0, buf1, sr0, sr1):
        wid = lax.axis_index("s") * 2 + lax.axis_index("c")
        base = wid * ROWS_PER_W
        pltpu.sync_copy(idx_hbm.at[wid], idx_v)

        def start(c, rbuf, semr):
            pltpu.async_copy(h_hbm.at[idx_v.at[c]], rbuf, semr)

        def wait(rbuf, semr):
            pltpu.make_async_copy(h_hbm.at[pl.ds(0, CH)], rbuf, semr).wait()

        def store(c, rbuf):
            pltpu.sync_copy(rbuf, out_hbm.at[pl.ds(base + c * CH, CH)])

        start(0, buf0, sr0)

        def body(g, _):
            a_c, b_c = 2 * g, 2 * g + 1
            start(b_c, buf1, sr1)
            wait(buf0, sr0)
            store(a_c, buf0)
            start(b_c + 1, buf0, sr0)
            wait(buf1, sr1)
            store(b_c, buf1)
            return 0

        lax.fori_loop(0, (NCHUNK - 1) // 2, body, 0)
        wait(buf0, sr0)
        store(NCHUNK - 1, buf0)

    @functools.partial(
        pl.kernel,
        out_type=jax.ShapeDtypeStruct((BP, NCLS), jnp.float32),
        mesh=mesh,
        scratch_types=[
            pltpu.VMEM((NCHUNK, CH), jnp.int32),
            pltpu.VMEM((CH, NCLS), jnp.float32),
            pltpu.VMEM((CH, NCLS), jnp.float32),
            pltpu.SemaphoreType.DMA,
            pltpu.SemaphoreType.DMA,
            pltpu.SemaphoreType.DMA,
            pltpu.SemaphoreType.DMA,
        ],
        compiler_params=pltpu.CompilerParams(use_tc_tiling_on_sc=False),
    )
    def scatter_k(z_hbm, idx_hbm, out_hbm,
                  idx_v, buf0, buf1, sl0, sl1, sw0, sw1):
        wid = lax.axis_index("s") * 2 + lax.axis_index("c")
        base = wid * ROWS_PER_W

        pltpu.sync_copy(idx_hbm.at[wid], idx_v)

        def load(c, rbuf, sem):
            pltpu.async_copy(z_hbm.at[pl.ds(base + c * CH, CH)], rbuf, sem)

        def wait_load(rbuf, sem):
            pltpu.make_async_copy(z_hbm.at[pl.ds(0, CH)], rbuf, sem).wait()

        def scat(c, rbuf, sem):
            pltpu.async_copy(rbuf, out_hbm.at[idx_v.at[c]], sem)

        def wait_scat(rbuf, sem):
            pltpu.make_async_copy(rbuf, out_hbm.at[pl.ds(0, CH)], sem).wait()

        load(0, buf0, sl0)

        def body(g, _):
            a_c, b_c = 2 * g, 2 * g + 1
            load(b_c, buf1, sl1)
            wait_load(buf0, sl0)
            scat(a_c, buf0, sw0)
            wait_scat(buf0, sw0)
            load(b_c + 1, buf0, sl0)
            wait_load(buf1, sl1)
            scat(b_c, buf1, sw1)
            wait_scat(buf1, sw1)
            return 0

        lax.fori_loop(0, (NCHUNK - 1) // 2, body, 0)
        wait_load(buf0, sl0)
        scat(NCHUNK - 1, buf0, sw0)
        wait_scat(buf0, sw0)

    return gather_k, scatter_k


def _sc_gather(h128, idx3):
    return _sc_kernels()[0](h128, idx3)


def _sc_scatter(z8, idx3):
    return _sc_kernels()[1](z8, idx3)


def _conv_body(head_ref, cur_ref, tail_ref,
               w1_ref, b1_ref, w2_ref, b2_ref, wfa_ref, wfb_ref, bf_ref,
               out_ref):
    i = pl.program_id(0)
    ext_full = jnp.concatenate(
        [head_ref[4:8], cur_ref[...], tail_ref[0:4]], axis=0)
    cur_h = ext_full[4:4 + RC, :H]
    ext = ext_full[:, :H] * ext_full[:, H:H + 1]
    g = lax.broadcasted_iota(jnp.int32, (RC + 8, H), 0) + (i * RC - 4)
    ext = jnp.where((g >= 0) & (g < N), ext, 0.0)

    y1 = b1_ref[...]
    for t in range(K):
        y1 = y1 + lax.dot_general(
            ext[t:t + RC + 4], w1_ref[t * H:(t + 1) * H],
            (((1,), (0,)), ((), ())), preferred_element_type=jnp.float32)
    y1 = jnp.maximum(y1, 0.0)

    y2 = b2_ref[...]
    for t in range(K):
        y2 = y2 + lax.dot_general(
            y1[t:t + RC], w2_ref[t * H:(t + 1) * H],
            (((1,), (0,)), ((), ())), preferred_element_type=jnp.float32)

    z = lax.dot_general(cur_h, wfa_ref[...], (((1,), (1,)), ((), ())),
                        preferred_element_type=jnp.float32)
    z = z + lax.dot_general(y2, wfb_ref[...], (((1,), (1,)), ((), ())),
                            preferred_element_type=jnp.float32)
    z = z + bf_ref[...]
    m = jnp.max(z, axis=1, keepdims=True)
    e = jnp.exp(z - m)
    s = jnp.sum(e, axis=1, keepdims=True)
    out_ref[...] = z - m - jnp.log(s)


def _conv_final(hsorted, Wc1, cb1, Wc2, cb2, Wf, bf):
    nblk = BP // RC
    nhb = BP // 8 - 1
    return pl.pallas_call(
        _conv_body,
        grid=(nblk,),
        in_specs=[
            pl.BlockSpec((8, F_IN), lambda i: (jnp.maximum(i * (RC // 8) - 1, 0), 0)),
            pl.BlockSpec((RC, F_IN), lambda i: (i, 0)),
            pl.BlockSpec((8, F_IN), lambda i: (jnp.minimum((i + 1) * (RC // 8), nhb), 0)),
            pl.BlockSpec((K * H, H), lambda i: (0, 0)),
            pl.BlockSpec((1, H), lambda i: (0, 0)),
            pl.BlockSpec((K * H, H), lambda i: (0, 0)),
            pl.BlockSpec((1, H), lambda i: (0, 0)),
            pl.BlockSpec((NCLS, H), lambda i: (0, 0)),
            pl.BlockSpec((NCLS, H), lambda i: (0, 0)),
            pl.BlockSpec((1, NCLS), lambda i: (0, 0)),
        ],
        out_specs=pl.BlockSpec((RC, NCLS), lambda i: (i, 0)),
        out_shape=jax.ShapeDtypeStruct((BP, NCLS), jnp.float32),
    )(hsorted, hsorted, hsorted,
      Wc1, cb1.reshape(1, H), Wc2, cb2.reshape(1, H),
      Wf[:, :H], Wf[:, H:], bf.reshape(1, NCLS))


def kernel(x, W1, b1, W2, b2, Wa, ba, cw1, cb1, cw2, cb2, Wf, bf):
    h, a3 = _dense(x, W1, b1, W2, b2, Wa, ba)

    sg, ss = _sort(a3)

    hsorted = _sc_gather(h, sg.reshape(NW, NCHUNK, CH))

    Wc1 = jnp.transpose(cw1, (2, 1, 0)).reshape(K * H, H)
    Wc2 = jnp.transpose(cw2, (2, 1, 0)).reshape(K * H, H)
    z = _conv_final(hsorted, Wc1, cb1, Wc2, cb2, Wf, bf)

    out = _sc_scatter(z, ss.reshape(NW, NCHUNK, CH))
    return out[:N]

# --- scband reference (transcript-rebuilt; emitter-appended) ---
"""Pipeline reference for scband-nlgnn-44959717655299 (READ-ONLY COPY).

The authoritative reference and input builder live on the scoring server;
editing this copy changes nothing except your own understanding.
"""

import jax, jax.numpy as jnp
import numpy as np

N = 100000
F_IN = 128
H1 = 64
H2 = 64
K = 5
NC = 16

def setup_inputs(seed: int = 0) -> dict:
    key = jax.random.key(seed)
    ks = jax.random.split(key, 8)
    x = jax.random.normal(ks[0], (N, F_IN), dtype=jnp.float32)
    W1 = jax.random.normal(ks[1], (H1, F_IN), dtype=jnp.float32) * 0.05
    b1 = jnp.zeros((H1,), dtype=jnp.float32)
    W2 = jax.random.normal(ks[2], (H2, H1), dtype=jnp.float32) * 0.05
    b2 = jnp.zeros((H2,), dtype=jnp.float32)
    Wa = jax.random.normal(ks[3], (1, H2), dtype=jnp.float32) * 0.05
    ba = jnp.zeros((1,), dtype=jnp.float32)
    cw1 = jax.random.normal(ks[4], (H2, H2, K), dtype=jnp.float32) * 0.05
    cb1 = jnp.zeros((H2,), dtype=jnp.float32)
    cw2 = jax.random.normal(ks[5], (H2, H2, K), dtype=jnp.float32) * 0.05
    cb2 = jnp.zeros((H2,), dtype=jnp.float32)
    Wf = jax.random.normal(ks[6], (NC, 2 * H2), dtype=jnp.float32) * 0.05
    bf = jnp.zeros((NC,), dtype=jnp.float32)
    return {"x": x, "W1": W1, "b1": b1, "W2": W2, "b2": b2, "Wa": Wa, "ba": ba, "cw1": cw1, "cb1": cb1, "cw2": cw2, "cb2": cb2, "Wf": Wf, "bf": bf}

def reference(x, W1, b1, W2, b2, Wa, ba, cw1, cb1, cw2, cb2, Wf, bf):
    pad = (K - 1) // 2
    h = jnp.maximum(x @ W1.T + b1, 0.0)
    # dropout is identity in eval mode
    h = h @ W2.T + b2
    before_h = h
    a = h @ Wa.T + ba  # [N, 1]
    sort_index = jnp.argsort(-a.flatten())  # descending argsort
    h = a * h
    h = h[sort_index].T[None, :, :]  # [1, H2, N]
    h = jax.lax.conv_general_dilated(h, cw1, (1,), [(pad, pad)], dimension_numbers=("NCH", "OIH", "NCH")) + cb1[None, :, None]
    h = jnp.maximum(h, 0.0)
    h = jax.lax.conv_general_dilated(h, cw2, (1,), [(pad, pad)], dimension_numbers=("NCH", "OIH", "NCH")) + cb2[None, :, None]
    h = h[0].T  # [N, H2]
    arg_index = jnp.argsort(sort_index)  # inverse permutation
    h = h[arg_index]
    final_h = jnp.concatenate([before_h, h], axis=1) @ Wf.T + bf
    return jax.nn.log_softmax(final_h, axis=1)

if __name__ == "__main__":
    import jax
    _d = setup_inputs()
    print(jax.jit(kernel)(*tuple(_d.values())))

</pallas_src>

<mosaic_0001>
#map = affine_map<(d0, d1) -> (0, 0)>
#map1 = affine_map<(d0, d1) -> (0, 0, 0)>
module attributes {stable_mosaic.version = 14 : i64} {
  func.func @scatter_k(%arg0: i32, %arg1: i32, %arg2: memref<102400x16xf32, #tpu.memory_space<hbm>>, %arg3: memref<32x25x128xi32, #tpu.memory_space<hbm>>, %arg4: memref<102400x16xf32, #tpu.memory_space<hbm>>, %arg5: memref<25x128xi32, #tpu.memory_space<vmem>>, %arg6: memref<128x16xf32, #tpu.memory_space<vmem>>, %arg7: memref<128x16xf32, #tpu.memory_space<vmem>>, %arg8: memref<!tpu.dma_semaphore, #tpu.memory_space<semaphore_mem>>, %arg9: memref<!tpu.dma_semaphore, #tpu.memory_space<semaphore_mem>>, %arg10: memref<!tpu.dma_semaphore, #tpu.memory_space<semaphore_mem>>, %arg11: memref<!tpu.dma_semaphore, #tpu.memory_space<semaphore_mem>>) attributes {dimension_semantics = [#tpu.dimension_semantics<core_parallel>, #tpu.dimension_semantics<subcore_parallel>], iteration_bounds = array<i64: 2, 16>, scalar_prefetch = 0 : i64, scratch_operands = 7 : i64, tpu.core_type = #tpu.core_type<sc_vector_subcore>, window_params = [{transform_indices = #map}, {transform_indices = #map1}, {transform_indices = #map}]} {
    %mul3A = arith.constant 2 : i32
    %mul3A_0 = arith.muli %arg1, %mul3A : i32
    %add3A = arith.addi %mul3A_0, %arg0 : i32
    %mul3A_1 = arith.constant 3200 : i32
    %mul3A_2 = arith.muli %add3A, %mul3A_1 : i32
    "tpu.region"() ({
      %run_scoped3A = tpu.sem_alloc : memref<!tpu.dma_semaphore, #tpu.memory_space<semaphore_mem>>
      %dma_start3A_32 = arith.constant 0 : i32
      %dma_start3A_33 = arith.constant 0 : i32
      %dma_start3A_34 = tpu.memref_slice %arg3[%add3A, %dma_start3A_32, %dma_start3A_33] : memref<32x25x128xi32, #tpu.memory_space<hbm>> -> memref<1x25x128xi32, #tpu.memory_space<hbm>>
      %dma_start3A_35 = tpu.memref_squeeze %dma_start3A_34 : memref<1x25x128xi32, #tpu.memory_space<hbm>> -> memref<25x128xi32, #tpu.memory_space<hbm>>
      %dma_start3A_36 = arith.constant 0 : i32
      %dma_start3A_37 = arith.constant 0 : i32
      %dma_start3A_38 = tpu.memref_slice %arg3[%add3A, %dma_start3A_36, %dma_start3A_37] : memref<32x25x128xi32, #tpu.memory_space<hbm>> -> memref<1x25x128xi32, #tpu.memory_space<hbm>>
      %dma_start3A_39 = tpu.memref_squeeze %dma_start3A_38 : memref<1x25x128xi32, #tpu.memory_space<hbm>> -> memref<25x128xi32, #tpu.memory_space<hbm>>
      tpu.enqueue_dma source(%dma_start3A_39 : memref<25x128xi32, #tpu.memory_space<hbm>>) target(%arg5 : memref<25x128xi32, #tpu.memory_space<vmem>>) target_semaphore(%run_scoped3A : memref<!tpu.dma_semaphore, #tpu.memory_space<semaphore_mem>>)
      %dma_wait3A_40 = arith.constant 0 : i32
      %dma_wait3A_41 = arith.constant 0 : i32
      %dma_wait3A_42 = tpu.memref_slice %arg3[%add3A, %dma_wait3A_40, %dma_wait3A_41] : memref<32x25x128xi32, #tpu.memory_space<hbm>> -> memref<1x25x128xi32, #tpu.memory_space<hbm>>
      %dma_wait3A_43 = tpu.memref_squeeze %dma_wait3A_42 : memref<1x25x128xi32, #tpu.memory_space<hbm>> -> memref<25x128xi32, #tpu.memory_space<hbm>>
      %dma_wait3A_44 = arith.constant 0 : i32
      %dma_wait3A_45 = arith.constant 0 : i32
      %dma_wait3A_46 = tpu.memref_slice %arg3[%add3A, %dma_wait3A_44, %dma_wait3A_45] : memref<32x25x128xi32, #tpu.memory_space<hbm>> -> memref<1x25x128xi32, #tpu.memory_space<hbm>>
      %dma_wait3A_47 = tpu.memref_squeeze %dma_wait3A_46 : memref<1x25x128xi32, #tpu.memory_space<hbm>> -> memref<25x128xi32, #tpu.memory_space<hbm>>
      tpu.wait_dma2 semaphore(%run_scoped3A : memref<!tpu.dma_semaphore, #tpu.memory_space<semaphore_mem>>) src(%dma_wait3A_47 : memref<25x128xi32, #tpu.memory_space<hbm>>) dst(%arg5 : memref<25x128xi32, #tpu.memory_space<vmem>>)
      tpu.yield
    }) : () -> ()
    %add3A_3 = arith.constant 0 : i32
    %add3A_4 = arith.addi %mul3A_2, %add3A_3 : i32
    %dma_start3A = arith.constant 0 : i32
    %dma_start3A_5 = tpu.memref_slice %arg2[%add3A_4, %dma_start3A] : memref<102400x16xf32, #tpu.memory_space<hbm>> -> memref<128x16xf32, #tpu.memory_space<hbm>>
    %dma_start3A_6 = arith.constant 0 : i32
    %dma_start3A_7 = tpu.memref_slice %arg2[%add3A_4, %dma_start3A_6] : memref<102400x16xf32, #tpu.memory_space<hbm>> -> memref<128x16xf32, #tpu.memory_space<hbm>>
    tpu.enqueue_dma source(%dma_start3A_7 : memref<128x16xf32, #tpu.memory_space<hbm>>) target(%arg6 : memref<128x16xf32, #tpu.memory_space<vmem>>) target_semaphore(%arg8 : memref<!tpu.dma_semaphore, #tpu.memory_space<semaphore_mem>>)
    %scan3A = arith.constant 0 : i32
    %scan3A_8 = arith.constant 0 : i32
    %scan3A_9 = arith.constant 12 : i32
    %scan3A_10 = arith.addi %scan3A_8, %scan3A_9 : i32
    %scan3A_11 = arith.constant 1 : i32
    %scan3A_12 = scf.for %scan3A_32 = %scan3A_8 to %scan3A_10 step %scan3A_11 iter_args(%scan3A_33 = %scan3A) -> (i32)  : i32 {
      %mul3A_34 = arith.constant 2 : i32
      %mul3A_35 = arith.muli %mul3A_34, %scan3A_32 : i32
      %mul3A_36 = arith.constant 2 : i32
      %mul3A_37 = arith.muli %mul3A_36, %scan3A_32 : i32
      %add3A_38 = arith.constant 1 : i32
      %add3A_39 = arith.addi %mul3A_37, %add3A_38 : i32
      %mul3A_40 = arith.constant 128 : i32
      %mul3A_41 = arith.muli %add3A_39, %mul3A_40 : i32
      %add3A_42 = arith.addi %mul3A_2, %mul3A_41 : i32
      %dma_start3A_43 = arith.constant 0 : i32
      %dma_start3A_44 = tpu.memref_slice %arg2[%add3A_42, %dma_start3A_43] : memref<102400x16xf32, #tpu.memory_space<hbm>> -> memref<128x16xf32, #tpu.memory_space<hbm>>
      %dma_start3A_45 = arith.constant 0 : i32
      %dma_start3A_46 = tpu.memref_slice %arg2[%add3A_42, %dma_start3A_45] : memref<102400x16xf32, #tpu.memory_space<hbm>> -> memref<128x16xf32, #tpu.memory_space<hbm>>
      tpu.enqueue_dma source(%dma_start3A_46 : memref<128x16xf32, #tpu.memory_space<hbm>>) target(%arg7 : memref<128x16xf32, #tpu.memory_space<vmem>>) target_semaphore(%arg9 : memref<!tpu.dma_semaphore, #tpu.memory_space<semaphore_mem>>)
      %dma_wait3A_47 = arith.constant 0 : i32
      %dma_wait3A_48 = arith.constant 0 : i32
      %dma_wait3A_49 = tpu.memref_slice %arg2[%dma_wait3A_47, %dma_wait3A_48] : memref<102400x16xf32, #tpu.memory_space<hbm>> -> memref<128x16xf32, #tpu.memory_space<hbm>>
      %dma_wait3A_50 = arith.constant 0 : i32
      %dma_wait3A_51 = arith.constant 0 : i32
      %dma_wait3A_52 = tpu.memref_slice %arg2[%dma_wait3A_50, %dma_wait3A_51] : memref<102400x16xf32, #tpu.memory_space<hbm>> -> memref<128x16xf32, #tpu.memory_space<hbm>>
      tpu.wait_dma2 semaphore(%arg8 : memref<!tpu.dma_semaphore, #tpu.memory_space<semaphore_mem>>) src(%dma_wait3A_52 : memref<128x16xf32, #tpu.memory_space<hbm>>) dst(%arg6 : memref<128x16xf32, #tpu.memory_space<vmem>>)
      %dma_start3A_53 = arith.constant 0 : i32
      %dma_start3A_54 = tpu.memref_slice %arg5[%mul3A_35, %dma_start3A_53] : memref<25x128xi32, #tpu.memory_space<vmem>> -> memref<1x128xi32, #tpu.memory_space<vmem>>
      %dma_start3A_55 = tpu.memref_squeeze %dma_start3A_54 : memref<1x128xi32, #tpu.memory_space<vmem>> -> memref<128xi32, #tpu.memory_space<vmem>>
      %dma_start3A_56 = arith.constant 0 : i32
      %dma_start3A_57 = arith.constant 0 : i32
      %dma_start3A_58 = tpu.memref_slice %arg4[%dma_start3A_56, %dma_start3A_57] : memref<102400x16xf32, #tpu.memory_space<hbm>> -> memref<102400x16xf32, #tpu.memory_space<hbm>>
      tpu.enqueue_indirect_dma source(%arg6 : memref<128x16xf32, #tpu.memory_space<vmem>>) target(%dma_start3A_58 : memref<102400x16xf32, #tpu.memory_space<hbm>>) offsets(%dma_start3A_55 : memref<128xi32, #tpu.memory_space<vmem>>) semaphore(%arg10 : memref<!tpu.dma_semaphore, #tpu.memory_space<semaphore_mem>>)
      %dma_wait3A_59 = arith.constant 0 : i32
      %dma_wait3A_60 = arith.constant 0 : i32
      %dma_wait3A_61 = tpu.memref_slice %arg4[%dma_wait3A_59, %dma_wait3A_60] : memref<102400x16xf32, #tpu.memory_space<hbm>> -> memref<128x16xf32, #tpu.memory_space<hbm>>
      %dma_wait3A_62 = arith.constant 0 : i32
      %dma_wait3A_63 = arith.constant 0 : i32
      %dma_wait3A_64 = tpu.memref_slice %arg4[%dma_wait3A_62, %dma_wait3A_63] : memref<102400x16xf32, #tpu.memory_space<hbm>> -> memref<128x16xf32, #tpu.memory_space<hbm>>
      tpu.wait_dma2 semaphore(%arg10 : memref<!tpu.dma_semaphore, #tpu.memory_space<semaphore_mem>>) src(%arg6 : memref<128x16xf32, #tpu.memory_space<vmem>>) dst(%dma_wait3A_64 : memref<128x16xf32, #tpu.memory_space<hbm>>)
      %add3A_65 = arith.constant 1 : i32
      %add3A_66 = arith.addi %add3A_39, %add3A_65 : i32
      %mul3A_67 = arith.constant 128 : i32
      %mul3A_68 = arith.muli %add3A_66, %mul3A_67 : i32
      %add3A_69 = arith.addi %mul3A_2, %mul3A_68 : i32
      %dma_start3A_70 = arith.constant 0 : i32
      %dma_start3A_71 = tpu.memref_slice %arg2[%add3A_69, %dma_start3A_70] : memref<102400x16xf32, #tpu.memory_space<hbm>> -> memref<128x16xf32, #tpu.memory_space<hbm>>
      %dma_start3A_72 = arith.constant 0 : i32
      %dma_start3A_73 = tpu.memref_slice %arg2[%add3A_69, %dma_start3A_72] : memref<102400x16xf32, #tpu.memory_space<hbm>> -> memref<128x16xf32, #tpu.memory_space<hbm>>
      tpu.enqueue_dma source(%dma_start3A_73 : memref<128x16xf32, #tpu.memory_space<hbm>>) target(%arg6 : memref<128x16xf32, #tpu.memory_space<vmem>>) target_semaphore(%arg8 : memref<!tpu.dma_semaphore, #tpu.memory_space<semaphore_mem>>)
      %dma_wait3A_74 = arith.constant 0 : i32
      %dma_wait3A_75 = arith.constant 0 : i32
      %dma_wait3A_76 = tpu.memref_slice %arg2[%dma_wait3A_74, %dma_wait3A_75] : memref<102400x16xf32, #tpu.memory_space<hbm>> -> memref<128x16xf32, #tpu.memory_space<hbm>>
      %dma_wait3A_77 = arith.constant 0 : i32
      %dma_wait3A_78 = arith.constant 0 : i32
      %dma_wait3A_79 = tpu.memref_slice %arg2[%dma_wait3A_77, %dma_wait3A_78] : memref<102400x16xf32, #tpu.memory_space<hbm>> -> memref<128x16xf32, #tpu.memory_space<hbm>>
      tpu.wait_dma2 semaphore(%arg9 : memref<!tpu.dma_semaphore, #tpu.memory_space<semaphore_mem>>) src(%dma_wait3A_79 : memref<128x16xf32, #tpu.memory_space<hbm>>) dst(%arg7 : memref<128x16xf32, #tpu.memory_space<vmem>>)
      %dma_start3A_80 = arith.constant 0 : i32
      %dma_start3A_81 = tpu.memref_slice %arg5[%add3A_39, %dma_start3A_80] : memref<25x128xi32, #tpu.memory_space<vmem>> -> memref<1x128xi32, #tpu.memory_space<vmem>>
      %dma_start3A_82 = tpu.memref_squeeze %dma_start3A_81 : memref<1x128xi32, #tpu.memory_space<vmem>> -> memref<128xi32, #tpu.memory_space<vmem>>
      %dma_start3A_83 = arith.constant 0 : i32
      %dma_start3A_84 = arith.constant 0 : i32
      %dma_start3A_85 = tpu.memref_slice %arg4[%dma_start3A_83, %dma_start3A_84] : memref<102400x16xf32, #tpu.memory_space<hbm>> -> memref<102400x16xf32, #tpu.memory_space<hbm>>
      tpu.enqueue_indirect_dma source(%arg7 : memref<128x16xf32, #tpu.memory_space<vmem>>) target(%dma_start3A_85 : memref<102400x16xf32, #tpu.memory_space<hbm>>) offsets(%dma_start3A_82 : memref<128xi32, #tpu.memory_space<vmem>>) semaphore(%arg11 : memref<!tpu.dma_semaphore, #tpu.memory_space<semaphore_mem>>)
      %dma_wait3A_86 = arith.constant 0 : i32
      %dma_wait3A_87 = arith.constant 0 : i32
      %dma_wait3A_88 = tpu.memref_slice %arg4[%dma_wait3A_86, %dma_wait3A_87] : memref<102400x16xf32, #tpu.memory_space<hbm>> -> memref<128x16xf32, #tpu.memory_space<hbm>>
      %dma_wait3A_89 = arith.constant 0 : i32
      %dma_wait3A_90 = arith.constant 0 : i32
      %dma_wait3A_91 = tpu.memref_slice %arg4[%dma_wait3A_89, %dma_wait3A_90] : memref<102400x16xf32, #tpu.memory_space<hbm>> -> memref<128x16xf32, #tpu.memory_space<hbm>>
      tpu.wait_dma2 semaphore(%arg11 : memref<!tpu.dma_semaphore, #tpu.memory_space<semaphore_mem>>) src(%arg7 : memref<128x16xf32, #tpu.memory_space<vmem>>) dst(%dma_wait3A_91 : memref<128x16xf32, #tpu.memory_space<hbm>>)
      %scan3A_92 = arith.constant 0 : i32
      scf.yield %scan3A_92 : i32
    }
    %scan3A_13 = arith.constant 12 : i32
    %dma_wait3A = arith.constant 0 : i32
    %dma_wait3A_14 = arith.constant 0 : i32
    %dma_wait3A_15 = tpu.memref_slice %arg2[%dma_wait3A, %dma_wait3A_14] : memref<102400x16xf32, #tpu.memory_space<hbm>> -> memref<128x16xf32, #tpu.memory_space<hbm>>
    %dma_wait3A_16 = arith.constant 0 : i32
    %dma_wait3A_17 = arith.constant 0 : i32
    %dma_wait3A_18 = tpu.memref_slice %arg2[%dma_wait3A_16, %dma_wait3A_17] : memref<102400x16xf32, #tpu.memory_space<hbm>> -> memref<128x16xf32, #tpu.memory_space<hbm>>
    tpu.wait_dma2 semaphore(%arg8 : memref<!tpu.dma_semaphore, #tpu.memory_space<semaphore_mem>>) src(%dma_wait3A_18 : memref<128x16xf32, #tpu.memory_space<hbm>>) dst(%arg6 : memref<128x16xf32, #tpu.memory_space<vmem>>)
    %dma_start3A_19 = arith.constant 24 : i32
    %dma_start3A_20 = arith.constant 0 : i32
    %dma_start3A_21 = tpu.memref_slice %arg5[%dma_start3A_19, %dma_start3A_20] : memref<25x128xi32, #tpu.memory_space<vmem>> -> memref<1x128xi32, #tpu.memory_space<vmem>>
    %dma_start3A_22 = tpu.memref_squeeze %dma_start3A_21 : memref<1x128xi32, #tpu.memory_space<vmem>> -> memref<128xi32, #tpu.memory_space<vmem>>
    %dma_start3A_23 = arith.constant 0 : i32
    %dma_start3A_24 = arith.constant 0 : i32
    %dma_start3A_25 = tpu.memref_slice %arg4[%dma_start3A_23, %dma_start3A_24] : memref<102400x16xf32, #tpu.memory_space<hbm>> -> memref<102400x16xf32, #tpu.memory_space<hbm>>
    tpu.enqueue_indirect_dma source(%arg6 : memref<128x16xf32, #tpu.memory_space<vmem>>) target(%dma_start3A_25 : memref<102400x16xf32, #tpu.memory_space<hbm>>) offsets(%dma_start3A_22 : memref<128xi32, #tpu.memory_space<vmem>>) semaphore(%arg10 : memref<!tpu.dma_semaphore, #tpu.memory_space<semaphore_mem>>)
    %dma_wait3A_26 = arith.constant 0 : i32
    %dma_wait3A_27 = arith.constant 0 : i32
    %dma_wait3A_28 = tpu.memref_slice %arg4[%dma_wait3A_26, %dma_wait3A_27] : memref<102400x16xf32, #tpu.memory_space<hbm>> -> memref<128x16xf32, #tpu.memory_space<hbm>>
    %dma_wait3A_29 = arith.constant 0 : i32
    %dma_wait3A_30 = arith.constant 0 : i32
    %dma_wait3A_31 = tpu.memref_slice %arg4[%dma_wait3A_29, %dma_wait3A_30] : memref<102400x16xf32, #tpu.memory_space<hbm>> -> memref<128x16xf32, #tpu.memory_space<hbm>>
    tpu.wait_dma2 semaphore(%arg10 : memref<!tpu.dma_semaphore, #tpu.memory_space<semaphore_mem>>) src(%arg6 : memref<128x16xf32, #tpu.memory_space<vmem>>) dst(%dma_wait3A_31 : memref<128x16xf32, #tpu.memory_space<hbm>>)
    return
  }
}

#map = affine_map<(d0, d1) -> (0, 0)>
#map1 = affine_map<(d0, d1) -> (0, 0, 0)>
module attributes {stable_mosaic.version = 14 : i64} {
  func.func @gather_k(%arg0: i32, %arg1: i32, %arg2: memref<100000x128xf32, #tpu.memory_space<hbm>>, %arg3: memref<32x25x128xi32, #tpu.memory_space<hbm>>, %arg4: memref<102400x128xf32, #tpu.memory_space<hbm>>, %arg5: memref<25x128xi32, #tpu.memory_space<vmem>>, %arg6: memref<128x128xf32, #tpu.memory_space<vmem>>, %arg7: memref<128x128xf32, #tpu.memory_space<vmem>>, %arg8: memref<!tpu.dma_semaphore, #tpu.memory_space<semaphore_mem>>, %arg9: memref<!tpu.dma_semaphore, #tpu.memory_space<semaphore_mem>>) attributes {dimension_semantics = [#tpu.dimension_semantics<core_parallel>, #tpu.dimension_semantics<subcore_parallel>], iteration_bounds = array<i64: 2, 16>, scalar_prefetch = 0 : i64, scratch_operands = 5 : i64, tpu.core_type = #tpu.core_type<sc_vector_subcore>, window_params = [{transform_indices = #map}, {transform_indices = #map1}, {transform_indices = #map}]} {
    %mul3A = arith.constant 2 : i32
    %mul3A_0 = arith.muli %arg1, %mul3A : i32
    %add3A = arith.addi %mul3A_0, %arg0 : i32
    %mul3A_1 = arith.constant 3200 : i32
    %mul3A_2 = arith.muli %add3A, %mul3A_1 : i32
    "tpu.region"() ({
      %run_scoped3A = tpu.sem_alloc : memref<!tpu.dma_semaphore, #tpu.memory_space<semaphore_mem>>
      %dma_start3A_22 = arith.constant 0 : i32
      %dma_start3A_23 = arith.constant 0 : i32
      %dma_start3A_24 = tpu.memref_slice %arg3[%add3A, %dma_start3A_22, %dma_start3A_23] : memref<32x25x128xi32, #tpu.memory_space<hbm>> -> memref<1x25x128xi32, #tpu.memory_space<hbm>>
      %dma_start3A_25 = tpu.memref_squeeze %dma_start3A_24 : memref<1x25x128xi32, #tpu.memory_space<hbm>> -> memref<25x128xi32, #tpu.memory_space<hbm>>
      %dma_start3A_26 = arith.constant 0 : i32
      %dma_start3A_27 = arith.constant 0 : i32
      %dma_start3A_28 = tpu.memref_slice %arg3[%add3A, %dma_start3A_26, %dma_start3A_27] : memref<32x25x128xi32, #tpu.memory_space<hbm>> -> memref<1x25x128xi32, #tpu.memory_space<hbm>>
      %dma_start3A_29 = tpu.memref_squeeze %dma_start3A_28 : memref<1x25x128xi32, #tpu.memory_space<hbm>> -> memref<25x128xi32, #tpu.memory_space<hbm>>
      tpu.enqueue_dma source(%dma_start3A_29 : memref<25x128xi32, #tpu.memory_space<hbm>>) target(%arg5 : memref<25x128xi32, #tpu.memory_space<vmem>>) target_semaphore(%run_scoped3A : memref<!tpu.dma_semaphore, #tpu.memory_space<semaphore_mem>>)
      %dma_wait3A_30 = arith.constant 0 : i32
      %dma_wait3A_31 = arith.constant 0 : i32
      %dma_wait3A_32 = tpu.memref_slice %arg3[%add3A, %dma_wait3A_30, %dma_wait3A_31] : memref<32x25x128xi32, #tpu.memory_space<hbm>> -> memref<1x25x128xi32, #tpu.memory_space<hbm>>
      %dma_wait3A_33 = tpu.memref_squeeze %dma_wait3A_32 : memref<1x25x128xi32, #tpu.memory_space<hbm>> -> memref<25x128xi32, #tpu.memory_space<hbm>>
      %dma_wait3A_34 = arith.constant 0 : i32
      %dma_wait3A_35 = arith.constant 0 : i32
      %dma_wait3A_36 = tpu.memref_slice %arg3[%add3A, %dma_wait3A_34, %dma_wait3A_35] : memref<32x25x128xi32, #tpu.memory_space<hbm>> -> memref<1x25x128xi32, #tpu.memory_space<hbm>>
      %dma_wait3A_37 = tpu.memref_squeeze %dma_wait3A_36 : memref<1x25x128xi32, #tpu.memory_space<hbm>> -> memref<25x128xi32, #tpu.memory_space<hbm>>
      tpu.wait_dma2 semaphore(%run_scoped3A : memref<!tpu.dma_semaphore, #tpu.memory_space<semaphore_mem>>) src(%dma_wait3A_37 : memref<25x128xi32, #tpu.memory_space<hbm>>) dst(%arg5 : memref<25x128xi32, #tpu.memory_space<vmem>>)
      tpu.yield
    }) : () -> ()
    %dma_start3A = arith.constant 0 : i32
    %dma_start3A_3 = arith.constant 0 : i32
    %dma_start3A_4 = tpu.memref_slice %arg5[%dma_start3A, %dma_start3A_3] : memref<25x128xi32, #tpu.memory_space<vmem>> -> memref<1x128xi32, #tpu.memory_space<vmem>>
    %dma_start3A_5 = tpu.memref_squeeze %dma_start3A_4 : memref<1x128xi32, #tpu.memory_space<vmem>> -> memref<128xi32, #tpu.memory_space<vmem>>
    %dma_start3A_6 = arith.constant 0 : i32
    %dma_start3A_7 = arith.constant 0 : i32
    %dma_start3A_8 = tpu.memref_slice %arg2[%dma_start3A_6, %dma_start3A_7] : memref<100000x128xf32, #tpu.memory_space<hbm>> -> memref<100000x128xf32, #tpu.memory_space<hbm>>
    tpu.enqueue_indirect_dma source(%dma_start3A_8 : memref<100000x128xf32, #tpu.memory_space<hbm>>) target(%arg6 : memref<128x128xf32, #tpu.memory_space<vmem>>) offsets(%dma_start3A_5 : memref<128xi32, #tpu.memory_space<vmem>>) semaphore(%arg8 : memref<!tpu.dma_semaphore, #tpu.memory_space<semaphore_mem>>)
    %scan3A = arith.constant 0 : i32
    %scan3A_9 = arith.constant 0 : i32
    %scan3A_10 = arith.constant 12 : i32
    %scan3A_11 = arith.addi %scan3A_9, %scan3A_10 : i32
    %scan3A_12 = arith.constant 1 : i32
    %scan3A_13 = scf.for %scan3A_22 = %scan3A_9 to %scan3A_11 step %scan3A_12 iter_args(%scan3A_23 = %scan3A) -> (i32)  : i32 {
      %mul3A_24 = arith.constant 2 : i32
      %mul3A_25 = arith.muli %mul3A_24, %scan3A_22 : i32
      %mul3A_26 = arith.constant 2 : i32
      %mul3A_27 = arith.muli %mul3A_26, %scan3A_22 : i32
      %add3A_28 = arith.constant 1 : i32
      %add3A_29 = arith.addi %mul3A_27, %add3A_28 : i32
      %dma_start3A_30 = arith.constant 0 : i32
      %dma_start3A_31 = tpu.memref_slice %arg5[%add3A_29, %dma_start3A_30] : memref<25x128xi32, #tpu.memory_space<vmem>> -> memref<1x128xi32, #tpu.memory_space<vmem>>
      %dma_start3A_32 = tpu.memref_squeeze %dma_start3A_31 : memref<1x128xi32, #tpu.memory_space<vmem>> -> memref<128xi32, #tpu.memory_space<vmem>>
      %dma_start3A_33 = arith.constant 0 : i32
      %dma_start3A_34 = arith.constant 0 : i32
      %dma_start3A_35 = tpu.memref_slice %arg2[%dma_start3A_33, %dma_start3A_34] : memref<100000x128xf32, #tpu.memory_space<hbm>> -> memref<100000x128xf32, #tpu.memory_space<hbm>>
      tpu.enqueue_indirect_dma source(%dma_start3A_35 : memref<100000x128xf32, #tpu.memory_space<hbm>>) target(%arg7 : memref<128x128xf32, #tpu.memory_space<vmem>>) offsets(%dma_start3A_32 : memref<128xi32, #tpu.memory_space<vmem>>) semaphore(%arg9 : memref<!tpu.dma_semaphore, #tpu.memory_space<semaphore_mem>>)
      %dma_wait3A_36 = arith.constant 0 : i32
      %dma_wait3A_37 = arith.constant 0 : i32
      %dma_wait3A_38 = tpu.memref_slice %arg2[%dma_wait3A_36, %dma_wait3A_37] : memref<100000x128xf32, #tpu.memory_space<hbm>> -> memref<128x128xf32, #tpu.memory_space<hbm>>
      %dma_wait3A_39 = arith.constant 0 : i32
      %dma_wait3A_40 = arith.constant 0 : i32
      %dma_wait3A_41 = tpu.memref_slice %arg2[%dma_wait3A_39, %dma_wait3A_40] : memref<100000x128xf32, #tpu.memory_space<hbm>> -> memref<128x128xf32, #tpu.memory_space<hbm>>
      tpu.wait_dma2 semaphore(%arg8 : memref<!tpu.dma_semaphore, #tpu.memory_space<semaphore_mem>>) src(%dma_wait3A_41 : memref<128x128xf32, #tpu.memory_space<hbm>>) dst(%arg6 : memref<128x128xf32, #tpu.memory_space<vmem>>)
      %mul3A_42 = arith.constant 128 : i32
      %mul3A_43 = arith.muli %mul3A_25, %mul3A_42 : i32
      %add3A_44 = arith.addi %mul3A_2, %mul3A_43 : i32
      "tpu.region"() ({
        %run_scoped3A = tpu.sem_alloc : memref<!tpu.dma_semaphore, #tpu.memory_space<semaphore_mem>>
        %dma_start3A_63 = arith.constant 0 : i32
        %dma_start3A_64 = tpu.memref_slice %arg4[%add3A_44, %dma_start3A_63] : memref<102400x128xf32, #tpu.memory_space<hbm>> -> memref<128x128xf32, #tpu.memory_space<hbm>>
        %dma_start3A_65 = arith.constant 0 : i32
        %dma_start3A_66 = tpu.memref_slice %arg4[%add3A_44, %dma_start3A_65] : memref<102400x128xf32, #tpu.memory_space<hbm>> -> memref<128x128xf32, #tpu.memory_space<hbm>>
        tpu.enqueue_dma source(%arg6 : memref<128x128xf32, #tpu.memory_space<vmem>>) target(%dma_start3A_66 : memref<128x128xf32, #tpu.memory_space<hbm>>) target_semaphore(%run_scoped3A : memref<!tpu.dma_semaphore, #tpu.memory_space<semaphore_mem>>)
        %dma_wait3A_67 = arith.constant 0 : i32
        %dma_wait3A_68 = tpu.memref_slice %arg4[%add3A_44, %dma_wait3A_67] : memref<102400x128xf32, #tpu.memory_space<hbm>> -> memref<128x128xf32, #tpu.memory_space<hbm>>
        %dma_wait3A_69 = arith.constant 0 : i32
        %dma_wait3A_70 = tpu.memref_slice %arg4[%add3A_44, %dma_wait3A_69] : memref<102400x128xf32, #tpu.memory_space<hbm>> -> memref<128x128xf32, #tpu.memory_space<hbm>>
        tpu.wait_dma2 semaphore(%run_scoped3A : memref<!tpu.dma_semaphore, #tpu.memory_space<semaphore_mem>>) src(%arg6 : memref<128x128xf32, #tpu.memory_space<vmem>>) dst(%dma_wait3A_70 : memref<128x128xf32, #tpu.memory_space<hbm>>)
        tpu.yield
      }) : () -> ()
      %add3A_45 = arith.constant 1 : i32
      %add3A_46 = arith.addi %add3A_29, %add3A_45 : i32
      %dma_start3A_47 = arith.constant 0 : i32
      %dma_start3A_48 = tpu.memref_slice %arg5[%add3A_46, %dma_start3A_47] : memref<25x128xi32, #tpu.memory_space<vmem>> -> memref<1x128xi32, #tpu.memory_space<vmem>>
      %dma_start3A_49 = tpu.memref_squeeze %dma_start3A_48 : memref<1x128xi32, #tpu.memory_space<vmem>> -> memref<128xi32, #tpu.memory_space<vmem>>
      %dma_start3A_50 = arith.constant 0 : i32
      %dma_start3A_51 = arith.constant 0 : i32
      %dma_start3A_52 = tpu.memref_slice %arg2[%dma_start3A_50, %dma_start3A_51] : memref<100000x128xf32, #tpu.memory_space<hbm>> -> memref<100000x128xf32, #tpu.memory_space<hbm>>
      tpu.enqueue_indirect_dma source(%dma_start3A_52 : memref<100000x128xf32, #tpu.memory_space<hbm>>) target(%arg6 : memref<128x128xf32, #tpu.memory_space<vmem>>) offsets(%dma_start3A_49 : memref<128xi32, #tpu.memory_space<vmem>>) semaphore(%arg8 : memref<!tpu.dma_semaphore, #tpu.memory_space<semaphore_mem>>)
      %dma_wait3A_53 = arith.constant 0 : i32
      %dma_wait3A_54 = arith.constant 0 : i32
      %dma_wait3A_55 = tpu.memref_slice %arg2[%dma_wait3A_53, %dma_wait3A_54] : memref<100000x128xf32, #tpu.memory_space<hbm>> -> memref<128x128xf32, #tpu.memory_space<hbm>>
      %dma_wait3A_56 = arith.constant 0 : i32
      %dma_wait3A_57 = arith.constant 0 : i32
      %dma_wait3A_58 = tpu.memref_slice %arg2[%dma_wait3A_56, %dma_wait3A_57] : memref<100000x128xf32, #tpu.memory_space<hbm>> -> memref<128x128xf32, #tpu.memory_space<hbm>>
      tpu.wait_dma2 semaphore(%arg9 : memref<!tpu.dma_semaphore, #tpu.memory_space<semaphore_mem>>) src(%dma_wait3A_58 : memref<128x128xf32, #tpu.memory_space<hbm>>) dst(%arg7 : memref<128x128xf32, #tpu.memory_space<vmem>>)
      %mul3A_59 = arith.constant 128 : i32
      %mul3A_60 = arith.muli %add3A_29, %mul3A_59 : i32
      %add3A_61 = arith.addi %mul3A_2, %mul3A_60 : i32
      "tpu.region"() ({
        %run_scoped3A = tpu.sem_alloc : memref<!tpu.dma_semaphore, #tpu.memory_space<semaphore_mem>>
        %dma_start3A_63 = arith.constant 0 : i32
        %dma_start3A_64 = tpu.memref_slice %arg4[%add3A_61, %dma_start3A_63] : memref<102400x128xf32, #tpu.memory_space<hbm>> -> memref<128x128xf32, #tpu.memory_space<hbm>>
        %dma_start3A_65 = arith.constant 0 : i32
        %dma_start3A_66 = tpu.memref_slice %arg4[%add3A_61, %dma_start3A_65] : memref<102400x128xf32, #tpu.memory_space<hbm>> -> memref<128x128xf32, #tpu.memory_space<hbm>>
        tpu.enqueue_dma source(%arg7 : memref<128x128xf32, #tpu.memory_space<vmem>>) target(%dma_start3A_66 : memref<128x128xf32, #tpu.memory_space<hbm>>) target_semaphore(%run_scoped3A : memref<!tpu.dma_semaphore, #tpu.memory_space<semaphore_mem>>)
        %dma_wait3A_67 = arith.constant 0 : i32
        %dma_wait3A_68 = tpu.memref_slice %arg4[%add3A_61, %dma_wait3A_67] : memref<102400x128xf32, #tpu.memory_space<hbm>> -> memref<128x128xf32, #tpu.memory_space<hbm>>
        %dma_wait3A_69 = arith.constant 0 : i32
        %dma_wait3A_70 = tpu.memref_slice %arg4[%add3A_61, %dma_wait3A_69] : memref<102400x128xf32, #tpu.memory_space<hbm>> -> memref<128x128xf32, #tpu.memory_space<hbm>>
        tpu.wait_dma2 semaphore(%run_scoped3A : memref<!tpu.dma_semaphore, #tpu.memory_space<semaphore_mem>>) src(%arg7 : memref<128x128xf32, #tpu.memory_space<vmem>>) dst(%dma_wait3A_70 : memref<128x128xf32, #tpu.memory_space<hbm>>)
        tpu.yield
      }) : () -> ()
      %scan3A_62 = arith.constant 0 : i32
      scf.yield %scan3A_62 : i32
    }
    %scan3A_14 = arith.constant 12 : i32
    %dma_wait3A = arith.constant 0 : i32
    %dma_wait3A_15 = arith.constant 0 : i32
    %dma_wait3A_16 = tpu.memref_slice %arg2[%dma_wait3A, %dma_wait3A_15] : memref<100000x128xf32, #tpu.memory_space<hbm>> -> memref<128x128xf32, #tpu.memory_space<hbm>>
    %dma_wait3A_17 = arith.constant 0 : i32
    %dma_wait3A_18 = arith.constant 0 : i32
    %dma_wait3A_19 = tpu.memref_slice %arg2[%dma_wait3A_17, %dma_wait3A_18] : memref<100000x128xf32, #tpu.memory_space<hbm>> -> memref<128x128xf32, #tpu.memory_space<hbm>>
    tpu.wait_dma2 semaphore(%arg8 : memref<!tpu.dma_semaphore, #tpu.memory_space<semaphore_mem>>) src(%dma_wait3A_19 : memref<128x128xf32, #tpu.memory_space<hbm>>) dst(%arg6 : memref<128x128xf32, #tpu.memory_space<vmem>>)
    %add3A_20 = arith.constant 3072 : i32
    %add3A_21 = arith.addi %mul3A_2, %add3A_20 : i32
    "tpu.region"() ({
      %run_scoped3A = tpu.sem_alloc : memref<!tpu.dma_semaphore, #tpu.memory_space<semaphore_mem>>
      %dma_start3A_22 = arith.constant 0 : i32
      %dma_start3A_23 = tpu.memref_slice %arg4[%add3A_21, %dma_start3A_22] : memref<102400x128xf32, #tpu.memory_space<hbm>> -> memref<128x128xf32, #tpu.memory_space<hbm>>
      %dma_start3A_24 = arith.constant 0 : i32
      %dma_start3A_25 = tpu.memref_slice %arg4[%add3A_21, %dma_start3A_24] : memref<102400x128xf32, #tpu.memory_space<hbm>> -> memref<128x128xf32, #tpu.memory_space<hbm>>
      tpu.enqueue_dma source(%arg6 : memref<128x128xf32, #tpu.memory_space<vmem>>) target(%dma_start3A_25 : memref<128x128xf32, #tpu.memory_space<hbm>>) target_semaphore(%run_scoped3A : memref<!tpu.dma_semaphore, #tpu.memory_space<semaphore_mem>>)
      %dma_wait3A_26 = arith.constant 0 : i32
      %dma_wait3A_27 = tpu.memref_slice %arg4[%add3A_21, %dma_wait3A_26] : memref<102400x128xf32, #tpu.memory_space<hbm>> -> memref<128x128xf32, #tpu.memory_space<hbm>>
      %dma_wait3A_28 = arith.constant 0 : i32
      %dma_wait3A_29 = tpu.memref_slice %arg4[%add3A_21, %dma_wait3A_28] : memref<102400x128xf32, #tpu.memory_space<hbm>> -> memref<128x128xf32, #tpu.memory_space<hbm>>
      tpu.wait_dma2 semaphore(%run_scoped3A : memref<!tpu.dma_semaphore, #tpu.memory_space<semaphore_mem>>) src(%arg6 : memref<128x128xf32, #tpu.memory_space<vmem>>) dst(%dma_wait3A_29 : memref<128x128xf32, #tpu.memory_space<hbm>>)
      tpu.yield
    }) : () -> ()
    return
  }
}

module attributes {stable_mosaic.version = 14 : i64} {
  func.func @_sort_body(%arg0: memref<25x1x4096xf32, #tpu.memory_space<vmem>>, %arg1: memref<800x128xi32, #tpu.memory_space<vmem>>, %arg2: memref<800x128xi32, #tpu.memory_space<vmem>>) attributes {dimension_semantics = [], scalar_prefetch = 0 : i64, scratch_operands = 0 : i64, tpu.core_type = #tpu.core_type<tc>} {
    %get3A = arith.constant 0 : index
    %get3A_0 = arith.constant 0 : index
    %get3A_1 = arith.constant 0 : index
    %get3A_2 = vector.load %arg0[%get3A, %get3A_0, %get3A_1] : memref<25x1x4096xf32, #tpu.memory_space<vmem>>, vector<25x1x4096xf32>
    %reshape3A = vector.shape_cast %get3A_2 : vector<25x1x4096xf32> to vector<800x128xf32>
    %broadcast_in_dim3A = arith.constant 0.000000e+00 : f32
    %broadcast_in_dim3A_3 = vector.broadcast %broadcast_in_dim3A : f32 to vector<224x128xf32>
    %concatenate3A = tpu.concatenate %reshape3A, %broadcast_in_dim3A_3 in 0 : vector<800x128xf32>, vector<224x128xf32> -> vector<1024x128xf32>
    %iota3A = tpu.iota {dimensions = array<i32: 0>} : vector<1024x128xi32>
    %iota3A_4 = tpu.iota {dimensions = array<i32: 1>} : vector<1024x128xi32>
    %mul3A = arith.constant 128 : i32
    %mul3A_5 = vector.broadcast %mul3A : i32 to vector<1024x128xi32>
    %mul3A_6 = arith.muli %iota3A, %mul3A_5 : vector<1024x128xi32>
    %add3A = arith.addi %mul3A_6, %iota3A_4 : vector<1024x128xi32>
    %lt3A = arith.constant 100000 : i32
    %lt3A_7 = vector.broadcast %lt3A : i32 to vector<1024x128xi32>
    %lt3A_8 = arith.cmpi slt, %add3A, %lt3A_7 : vector<1024x128xi32>
    %neg3A = arith.constant 0.000000e+00 : f32
    %neg3A_9 = vector.broadcast %neg3A : f32 to vector<1024x128xf32>
    %neg3A_10 = arith.subf %neg3A_9, %concatenate3A : vector<1024x128xf32>
    %jit3A = arith.constant 0x7F800000 : f32
    %broadcast_in_dim3A_11 = vector.broadcast %jit3A : f32 to vector<1024x128xf32>
    %select_n3A = arith.select %lt3A_8, %neg3A_10, %broadcast_in_dim3A_11 : vector<1024x128xi1>, vector<1024x128xf32>
    %scan3A = arith.constant 1 : i32
    %scan3A_12 = arith.constant 17 : i32
    %scan3A_13 = arith.addi %scan3A, %scan3A_12 : i32
    %scan3A_14 = arith.constant 1 : i32
    %scan3A_15:2 = scf.for %scan3A_29 = %scan3A to %scan3A_13 step %scan3A_14 iter_args(%scan3A_30 = %select_n3A, %scan3A_31 = %add3A) -> (vector<1024x128xf32>, vector<1024x128xi32>)  : i32 {
      %sub3A_32 = arith.constant 7 : i32
      %sub3A_33 = arith.subi %scan3A_29, %sub3A_32 : i32
      %max3A = arith.constant 0 : i32
      %max3A_34 = arith.maxsi %sub3A_33, %max3A : i32
      %while3A = arith.constant 0 : i32
      %while3A_35 = arith.subi %max3A_34, %while3A : i32
      %while3A_36 = arith.addi %while3A, %while3A_35 : i32
      %while3A_37 = arith.constant 1 : i32
      %while3A_38 = arith.divsi %while3A_35, %while3A_37 : i32
      %while3A_39 = arith.muli %while3A_38, %while3A_37 : i32
      %while3A_40 = arith.addi %while3A, %while3A_39 : i32
      %while3A_41 = arith.constant 1 : i32
      %while3A_42:2 = scf.for %while3A_57 = %while3A to %while3A_40 step %while3A_41 iter_args(%while3A_58 = %scan3A_30, %while3A_59 = %scan3A_31) -> (vector<1024x128xf32>, vector<1024x128xi32>)  : i32 {
        %sub3A_60 = arith.constant 1 : i32
        %sub3A_61 = arith.subi %scan3A_29, %sub3A_60 : i32
        %sub3A_62 = arith.subi %sub3A_61, %while3A_57 : i32
        %shift_left3A = arith.constant 1 : i32
        %shift_left3A_63 = arith.shli %shift_left3A, %sub3A_62 : i32
        %shift_right_logical3A = arith.constant 7 : i32
        %shift_right_logical3A_64 = arith.shrui %shift_left3A_63, %shift_right_logical3A : i32
        %and3A = vector.broadcast %shift_left3A_63 : i32 to vector<1024x128xi32>
        %and3A_65 = arith.andi %add3A, %and3A : vector<1024x128xi32>
        %ne3A = arith.constant 0 : i32
        %ne3A_66 = vector.broadcast %ne3A : i32 to vector<1024x128xi32>
        %ne3A_67 = arith.cmpi ne, %and3A_65, %ne3A_66 : vector<1024x128xi32>
        %shift_right_logical3A_68 = vector.broadcast %scan3A_29 : i32 to vector<1024x128xi32>
        %shift_right_logical3A_69 = arith.shrui %add3A, %shift_right_logical3A_68 : vector<1024x128xi32>
        %and3A_70 = arith.constant 1 : i32
        %and3A_71 = vector.broadcast %and3A_70 : i32 to vector<1024x128xi32>
        %and3A_72 = arith.andi %shift_right_logical3A_69, %and3A_71 : vector<1024x128xi32>
        %eq3A = arith.constant 0 : i32
        %eq3A_73 = vector.broadcast %eq3A : i32 to vector<1024x128xi32>
        %eq3A_74 = arith.cmpi eq, %and3A_72, %eq3A_73 : vector<1024x128xi32>
        %sub3A_75 = arith.constant 1024 : i32
        %sub3A_76 = arith.subi %sub3A_75, %shift_right_logical3A_64 : i32
        %roll3A = tpu.dynamic_rotate %while3A_58 by %sub3A_76 dim 0 : vector<1024x128xf32>, i32 -> vector<1024x128xf32>
        %roll3A_77 = tpu.dynamic_rotate %while3A_58 by %shift_right_logical3A_64 dim 0 : vector<1024x128xf32>, i32 -> vector<1024x128xf32>
        %sub3A_78 = arith.constant 1024 : i32
        %sub3A_79 = arith.subi %sub3A_78, %shift_right_logical3A_64 : i32
        %roll3A_80 = tpu.dynamic_rotate %while3A_59 by %sub3A_79 dim 0 : vector<1024x128xi32>, i32 -> vector<1024x128xi32>
        %roll3A_81 = tpu.dynamic_rotate %while3A_59 by %shift_right_logical3A_64 dim 0 : vector<1024x128xi32>, i32 -> vector<1024x128xi32>
        %select_n3A_82 = arith.select %ne3A_67, %roll3A_77, %roll3A : vector<1024x128xi1>, vector<1024x128xf32>
        %select_n3A_83 = arith.select %ne3A_67, %roll3A_81, %roll3A_80 : vector<1024x128xi1>, vector<1024x128xi32>
        %lt3A_84 = arith.cmpf olt, %while3A_58, %select_n3A_82 : vector<1024x128xf32>
        %eq3A_85 = arith.cmpf oeq, %while3A_58, %select_n3A_82 : vector<1024x128xf32>
        %lt3A_86 = arith.cmpi slt, %while3A_59, %select_n3A_83 : vector<1024x128xi32>
        %and3A_87 = arith.andi %eq3A_85, %lt3A_86 : vector<1024x128xi1>
        %or3A = arith.ori %lt3A_84, %and3A_87 : vector<1024x128xi1>
        %not3A = arith.constant dense<true> : vector<1024x128xi1>
        %not3A_88 = arith.xori %ne3A_67, %not3A : vector<1024x128xi1>
        %eq3A_89 = arith.xori %not3A_88, %eq3A_74 : vector<1024x128xi1>
        %eq3A_90 = arith.constant dense<true> : vector<1024x128xi1>
        %eq3A_91 = arith.xori %eq3A_89, %eq3A_90 : vector<1024x128xi1>
        %eq3A_92 = arith.xori %eq3A_91, %or3A : vector<1024x128xi1>
        %eq3A_93 = arith.constant dense<true> : vector<1024x128xi1>
        %eq3A_94 = arith.xori %eq3A_92, %eq3A_93 : vector<1024x128xi1>
        %select_n3A_95 = arith.select %eq3A_94, %while3A_58, %select_n3A_82 : vector<1024x128xi1>, vector<1024x128xf32>
        %select_n3A_96 = arith.select %eq3A_94, %while3A_59, %select_n3A_83 : vector<1024x128xi1>, vector<1024x128xi32>
        scf.yield %select_n3A_95, %select_n3A_96 : vector<1024x128xf32>, vector<1024x128xi32>
      }
      %while3A_43 = arith.constant 1 : i32
      %while3A_44:2 = scf.for %while3A_57 = %while3A_40 to %while3A_36 step %while3A_43 iter_args(%while3A_58 = %while3A_42#0, %while3A_59 = %while3A_42#1) -> (vector<1024x128xf32>, vector<1024x128xi32>)  : i32 {
        %sub3A_60 = arith.constant 1 : i32
        %sub3A_61 = arith.subi %scan3A_29, %sub3A_60 : i32
        %sub3A_62 = arith.subi %sub3A_61, %while3A_57 : i32
        %shift_left3A = arith.constant 1 : i32
        %shift_left3A_63 = arith.shli %shift_left3A, %sub3A_62 : i32
        %shift_right_logical3A = arith.constant 7 : i32
        %shift_right_logical3A_64 = arith.shrui %shift_left3A_63, %shift_right_logical3A : i32
        %and3A = vector.broadcast %shift_left3A_63 : i32 to vector<1024x128xi32>
        %and3A_65 = arith.andi %add3A, %and3A : vector<1024x128xi32>
        %ne3A = arith.constant 0 : i32
        %ne3A_66 = vector.broadcast %ne3A : i32 to vector<1024x128xi32>
        %ne3A_67 = arith.cmpi ne, %and3A_65, %ne3A_66 : vector<1024x128xi32>
        %shift_right_logical3A_68 = vector.broadcast %scan3A_29 : i32 to vector<1024x128xi32>
        %shift_right_logical3A_69 = arith.shrui %add3A, %shift_right_logical3A_68 : vector<1024x128xi32>
        %and3A_70 = arith.constant 1 : i32
        %and3A_71 = vector.broadcast %and3A_70 : i32 to vector<1024x128xi32>
        %and3A_72 = arith.andi %shift_right_logical3A_69, %and3A_71 : vector<1024x128xi32>
        %eq3A = arith.constant 0 : i32
        %eq3A_73 = vector.broadcast %eq3A : i32 to vector<1024x128xi32>
        %eq3A_74 = arith.cmpi eq, %and3A_72, %eq3A_73 : vector<1024x128xi32>
        %sub3A_75 = arith.constant 1024 : i32
        %sub3A_76 = arith.subi %sub3A_75, %shift_right_logical3A_64 : i32
        %roll3A = tpu.dynamic_rotate %while3A_58 by %sub3A_76 dim 0 : vector<1024x128xf32>, i32 -> vector<1024x128xf32>
        %roll3A_77 = tpu.dynamic_rotate %while3A_58 by %shift_right_logical3A_64 dim 0 : vector<1024x128xf32>, i32 -> vector<1024x128xf32>
        %sub3A_78 = arith.constant 1024 : i32
        %sub3A_79 = arith.subi %sub3A_78, %shift_right_logical3A_64 : i32
        %roll3A_80 = tpu.dynamic_rotate %while3A_59 by %sub3A_79 dim 0 : vector<1024x128xi32>, i32 -> vector<1024x128xi32>
        %roll3A_81 = tpu.dynamic_rotate %while3A_59 by %shift_right_logical3A_64 dim 0 : vector<1024x128xi32>, i32 -> vector<1024x128xi32>
        %select_n3A_82 = arith.select %ne3A_67, %roll3A_77, %roll3A : vector<1024x128xi1>, vector<1024x128xf32>
        %select_n3A_83 = arith.select %ne3A_67, %roll3A_81, %roll3A_80 : vector<1024x128xi1>, vector<1024x128xi32>
        %lt3A_84 = arith.cmpf olt, %while3A_58, %select_n3A_82 : vector<1024x128xf32>
        %eq3A_85 = arith.cmpf oeq, %while3A_58, %select_n3A_82 : vector<1024x128xf32>
        %lt3A_86 = arith.cmpi slt, %while3A_59, %select_n3A_83 : vector<1024x128xi32>
        %and3A_87 = arith.andi %eq3A_85, %lt3A_86 : vector<1024x128xi1>
        %or3A = arith.ori %lt3A_84, %and3A_87 : vector<1024x128xi1>
        %not3A = arith.constant dense<true> : vector<1024x128xi1>
        %not3A_88 = arith.xori %ne3A_67, %not3A : vector<1024x128xi1>
        %eq3A_89 = arith.xori %not3A_88, %eq3A_74 : vector<1024x128xi1>
        %eq3A_90 = arith.constant dense<true> : vector<1024x128xi1>
        %eq3A_91 = arith.xori %eq3A_89, %eq3A_90 : vector<1024x128xi1>
        %eq3A_92 = arith.xori %eq3A_91, %or3A : vector<1024x128xi1>
        %eq3A_93 = arith.constant dense<true> : vector<1024x128xi1>
        %eq3A_94 = arith.xori %eq3A_92, %eq3A_93 : vector<1024x128xi1>
        %select_n3A_95 = arith.select %eq3A_94, %while3A_58, %select_n3A_82 : vector<1024x128xi1>, vector<1024x128xf32>
        %select_n3A_96 = arith.select %eq3A_94, %while3A_59, %select_n3A_83 : vector<1024x128xi1>, vector<1024x128xi32>
        scf.yield %select_n3A_95, %select_n3A_96 : vector<1024x128xf32>, vector<1024x128xi32>
      }
      %min3A = arith.constant 7 : i32
      %min3A_45 = arith.minsi %scan3A_29, %min3A : i32
      %while3A_46 = arith.constant 0 : i32
      %while3A_47 = arith.subi %min3A_45, %while3A_46 : i32
      %while3A_48 = arith.addi %while3A_46, %while3A_47 : i32
      %while3A_49 = arith.constant 1 : i32
      %while3A_50 = arith.divsi %while3A_47, %while3A_49 : i32
      %while3A_51 = arith.muli %while3A_50, %while3A_49 : i32
      %while3A_52 = arith.addi %while3A_46, %while3A_51 : i32
      %while3A_53 = arith.constant 1 : i32
      %while3A_54:2 = scf.for %while3A_57 = %while3A_46 to %while3A_52 step %while3A_53 iter_args(%while3A_58 = %while3A_44#0, %while3A_59 = %while3A_44#1) -> (vector<1024x128xf32>, vector<1024x128xi32>)  : i32 {
        %min3A_60 = arith.constant 7 : i32
        %min3A_61 = arith.minsi %scan3A_29, %min3A_60 : i32
        %sub3A_62 = arith.constant 1 : i32
        %sub3A_63 = arith.subi %min3A_61, %sub3A_62 : i32
        %sub3A_64 = arith.subi %sub3A_63, %while3A_57 : i32
        %shift_left3A = arith.constant 1 : i32
        %shift_left3A_65 = arith.shli %shift_left3A, %sub3A_64 : i32
        %and3A = vector.broadcast %shift_left3A_65 : i32 to vector<1024x128xi32>
        %and3A_66 = arith.andi %add3A, %and3A : vector<1024x128xi32>
        %ne3A = arith.constant 0 : i32
        %ne3A_67 = vector.broadcast %ne3A : i32 to vector<1024x128xi32>
        %ne3A_68 = arith.cmpi ne, %and3A_66, %ne3A_67 : vector<1024x128xi32>
        %shift_right_logical3A = vector.broadcast %scan3A_29 : i32 to vector<1024x128xi32>
        %shift_right_logical3A_69 = arith.shrui %add3A, %shift_right_logical3A : vector<1024x128xi32>
        %and3A_70 = arith.constant 1 : i32
        %and3A_71 = vector.broadcast %and3A_70 : i32 to vector<1024x128xi32>
        %and3A_72 = arith.andi %shift_right_logical3A_69, %and3A_71 : vector<1024x128xi32>
        %eq3A = arith.constant 0 : i32
        %eq3A_73 = vector.broadcast %eq3A : i32 to vector<1024x128xi32>
        %eq3A_74 = arith.cmpi eq, %and3A_72, %eq3A_73 : vector<1024x128xi32>
        %sub3A_75 = arith.constant 128 : i32
        %sub3A_76 = arith.subi %sub3A_75, %shift_left3A_65 : i32
        %roll3A = tpu.dynamic_rotate %while3A_58 by %sub3A_76 dim 1 : vector<1024x128xf32>, i32 -> vector<1024x128xf32>
        %roll3A_77 = tpu.dynamic_rotate %while3A_58 by %shift_left3A_65 dim 1 : vector<1024x128xf32>, i32 -> vector<1024x128xf32>
        %sub3A_78 = arith.constant 128 : i32
        %sub3A_79 = arith.subi %sub3A_78, %shift_left3A_65 : i32
        %roll3A_80 = tpu.dynamic_rotate %while3A_59 by %sub3A_79 dim 1 : vector<1024x128xi32>, i32 -> vector<1024x128xi32>
        %roll3A_81 = tpu.dynamic_rotate %while3A_59 by %shift_left3A_65 dim 1 : vector<1024x128xi32>, i32 -> vector<1024x128xi32>
        %select_n3A_82 = arith.select %ne3A_68, %roll3A_77, %roll3A : vector<1024x128xi1>, vector<1024x128xf32>
        %select_n3A_83 = arith.select %ne3A_68, %roll3A_81, %roll3A_80 : vector<1024x128xi1>, vector<1024x128xi32>
        %lt3A_84 = arith.cmpf olt, %while3A_58, %select_n3A_82 : vector<1024x128xf32>
        %eq3A_85 = arith.cmpf oeq, %while3A_58, %select_n3A_82 : vector<1024x128xf32>
        %lt3A_86 = arith.cmpi slt, %while3A_59, %select_n3A_83 : vector<1024x128xi32>
        %and3A_87 = arith.andi %eq3A_85, %lt3A_86 : vector<1024x128xi1>
        %or3A = arith.ori %lt3A_84, %and3A_87 : vector<1024x128xi1>
        %not3A = arith.constant dense<true> : vector<1024x128xi1>
        %not3A_88 = arith.xori %ne3A_68, %not3A : vector<1024x128xi1>
        %eq3A_89 = arith.xori %not3A_88, %eq3A_74 : vector<1024x128xi1>
        %eq3A_90 = arith.constant dense<true> : vector<1024x128xi1>
        %eq3A_91 = arith.xori %eq3A_89, %eq3A_90 : vector<1024x128xi1>
        %eq3A_92 = arith.xori %eq3A_91, %or3A : vector<1024x128xi1>
        %eq3A_93 = arith.constant dense<true> : vector<1024x128xi1>
        %eq3A_94 = arith.xori %eq3A_92, %eq3A_93 : vector<1024x128xi1>
        %select_n3A_95 = arith.select %eq3A_94, %while3A_58, %select_n3A_82 : vector<1024x128xi1>, vector<1024x128xf32>
        %select_n3A_96 = arith.select %eq3A_94, %while3A_59, %select_n3A_83 : vector<1024x128xi1>, vector<1024x128xi32>
        scf.yield %select_n3A_95, %select_n3A_96 : vector<1024x128xf32>, vector<1024x128xi32>
      }
      %while3A_55 = arith.constant 1 : i32
      %while3A_56:2 = scf.for %while3A_57 = %while3A_52 to %while3A_48 step %while3A_55 iter_args(%while3A_58 = %while3A_54#0, %while3A_59 = %while3A_54#1) -> (vector<1024x128xf32>, vector<1024x128xi32>)  : i32 {
        %min3A_60 = arith.constant 7 : i32
        %min3A_61 = arith.minsi %scan3A_29, %min3A_60 : i32
        %sub3A_62 = arith.constant 1 : i32
        %sub3A_63 = arith.subi %min3A_61, %sub3A_62 : i32
        %sub3A_64 = arith.subi %sub3A_63, %while3A_57 : i32
        %shift_left3A = arith.constant 1 : i32
        %shift_left3A_65 = arith.shli %shift_left3A, %sub3A_64 : i32
        %and3A = vector.broadcast %shift_left3A_65 : i32 to vector<1024x128xi32>
        %and3A_66 = arith.andi %add3A, %and3A : vector<1024x128xi32>
        %ne3A = arith.constant 0 : i32
        %ne3A_67 = vector.broadcast %ne3A : i32 to vector<1024x128xi32>
        %ne3A_68 = arith.cmpi ne, %and3A_66, %ne3A_67 : vector<1024x128xi32>
        %shift_right_logical3A = vector.broadcast %scan3A_29 : i32 to vector<1024x128xi32>
        %shift_right_logical3A_69 = arith.shrui %add3A, %shift_right_logical3A : vector<1024x128xi32>
        %and3A_70 = arith.constant 1 : i32
        %and3A_71 = vector.broadcast %and3A_70 : i32 to vector<1024x128xi32>
        %and3A_72 = arith.andi %shift_right_logical3A_69, %and3A_71 : vector<1024x128xi32>
        %eq3A = arith.constant 0 : i32
        %eq3A_73 = vector.broadcast %eq3A : i32 to vector<1024x128xi32>
        %eq3A_74 = arith.cmpi eq, %and3A_72, %eq3A_73 : vector<1024x128xi32>
        %sub3A_75 = arith.constant 128 : i32
        %sub3A_76 = arith.subi %sub3A_75, %shift_left3A_65 : i32
        %roll3A = tpu.dynamic_rotate %while3A_58 by %sub3A_76 dim 1 : vector<1024x128xf32>, i32 -> vector<1024x128xf32>
        %roll3A_77 = tpu.dynamic_rotate %while3A_58 by %shift_left3A_65 dim 1 : vector<1024x128xf32>, i32 -> vector<1024x128xf32>
        %sub3A_78 = arith.constant 128 : i32
        %sub3A_79 = arith.subi %sub3A_78, %shift_left3A_65 : i32
        %roll3A_80 = tpu.dynamic_rotate %while3A_59 by %sub3A_79 dim 1 : vector<1024x128xi32>, i32 -> vector<1024x128xi32>
        %roll3A_81 = tpu.dynamic_rotate %while3A_59 by %shift_left3A_65 dim 1 : vector<1024x128xi32>, i32 -> vector<1024x128xi32>
        %select_n3A_82 = arith.select %ne3A_68, %roll3A_77, %roll3A : vector<1024x128xi1>, vector<1024x128xf32>
        %select_n3A_83 = arith.select %ne3A_68, %roll3A_81, %roll3A_80 : vector<1024x128xi1>, vector<1024x128xi32>
        %lt3A_84 = arith.cmpf olt, %while3A_58, %select_n3A_82 : vector<1024x128xf32>
        %eq3A_85 = arith.cmpf oeq, %while3A_58, %select_n3A_82 : vector<1024x128xf32>
        %lt3A_86 = arith.cmpi slt, %while3A_59, %select_n3A_83 : vector<1024x128xi32>
        %and3A_87 = arith.andi %eq3A_85, %lt3A_86 : vector<1024x128xi1>
        %or3A = arith.ori %lt3A_84, %and3A_87 : vector<1024x128xi1>
        %not3A = arith.constant dense<true> : vector<1024x128xi1>
        %not3A_88 = arith.xori %ne3A_68, %not3A : vector<1024x128xi1>
        %eq3A_89 = arith.xori %not3A_88, %eq3A_74 : vector<1024x128xi1>
        %eq3A_90 = arith.constant dense<true> : vector<1024x128xi1>
        %eq3A_91 = arith.xori %eq3A_89, %eq3A_90 : vector<1024x128xi1>
        %eq3A_92 = arith.xori %eq3A_91, %or3A : vector<1024x128xi1>
        %eq3A_93 = arith.constant dense<true> : vector<1024x128xi1>
        %eq3A_94 = arith.xori %eq3A_92, %eq3A_93 : vector<1024x128xi1>
        %select_n3A_95 = arith.select %eq3A_94, %while3A_58, %select_n3A_82 : vector<1024x128xi1>, vector<1024x128xf32>
        %select_n3A_96 = arith.select %eq3A_94, %while3A_59, %select_n3A_83 : vector<1024x128xi1>, vector<1024x128xi32>
        scf.yield %select_n3A_95, %select_n3A_96 : vector<1024x128xf32>, vector<1024x128xi32>
      }
      scf.yield %while3A_56#0, %while3A_56#1 : vector<1024x128xf32>, vector<1024x128xi32>
    }
    %scan3A_16 = arith.constant 17 : i32
    %lt3A_17 = arith.constant 100000 : i32
    %lt3A_18 = vector.broadcast %lt3A_17 : i32 to vector<1024x128xi32>
    %lt3A_19 = arith.cmpi slt, %scan3A_15#1, %lt3A_18 : vector<1024x128xi32>
    %sub3A = arith.constant 100000 : i32
    %sub3A_20 = vector.broadcast %sub3A : i32 to vector<1024x128xi32>
    %sub3A_21 = arith.subi %scan3A_15#1, %sub3A_20 : vector<1024x128xi32>
    %select_n3A_22 = arith.select %lt3A_19, %scan3A_15#1, %sub3A_21 : vector<1024x128xi1>, vector<1024x128xi32>
    %slice3A = vector.extract_strided_slice %select_n3A_22 {offsets = [0, 0], sizes = [800, 128], strides = [1, 1]} : vector<1024x128xi32> to vector<800x128xi32>
    %swap3A = arith.constant 0 : index
    %swap3A_23 = arith.constant 0 : index
    %swap3A_24 = vector.load %arg1[%swap3A, %swap3A_23] : memref<800x128xi32, #tpu.memory_space<vmem>>, vector<800x128xi32>
    tpu.vector_store %arg1[%swap3A, %swap3A_23], %slice3A {strides = array<i32>} : memref<800x128xi32, #tpu.memory_space<vmem>>, vector<800x128xi32>,
    %slice3A_25 = vector.extract_strided_slice %scan3A_15#1 {offsets = [0, 0], sizes = [800, 128], strides = [1, 1]} : vector<1024x128xi32> to vector<800x128xi32>
    %swap3A_26 = arith.constant 0 : index
    %swap3A_27 = arith.constant 0 : index
    %swap3A_28 = vector.load %arg2[%swap3A_26, %swap3A_27] : memref<800x128xi32, #tpu.memory_space<vmem>>, vector<800x128xi32>
    tpu.vector_store %arg2[%swap3A_26, %swap3A_27], %slice3A_25 {strides = array<i32>} : memref<800x128xi32, #tpu.memory_space<vmem>>, vector<800x128xi32>,
    return
  }
}

module attributes {stable_mosaic.version = 14 : i64} {
  func.func @_dense_body(%arg0: i32, %arg1: memref<4096x128xf32, #tpu.memory_space<vmem>>, %arg2: memref<64x128xf32, #tpu.memory_space<vmem>>, %arg3: memref<1x64xf32, #tpu.memory_space<vmem>>, %arg4: memref<64x64xf32, #tpu.memory_space<vmem>>, %arg5: memref<1x64xf32, #tpu.memory_space<vmem>>, %arg6: memref<1x64xf32, #tpu.memory_space<vmem>>, %arg7: memref<1x1xf32, #tpu.memory_space<vmem>>, %arg8: memref<4096x128xf32, #tpu.memory_space<vmem>>, %arg9: memref<1x1x4096xf32, #tpu.memory_space<vmem>>) attributes {dimension_semantics = [#tpu.dimension_semantics<arbitrary>], iteration_bounds = array<i64: 25>, scalar_prefetch = 0 : i64, scratch_operands = 0 : i64, tpu.core_type = #tpu.core_type<tc>, window_params = [{transform_indices = @transform_0, window_bounds = array<i64: 4096, 128>}, {pipeline_mode = #tpu.pipeline_mode<synchronous>, transform_indices = @transform_1, window_bounds = array<i64: 64, 128>}, {pipeline_mode = #tpu.pipeline_mode<synchronous>, transform_indices = @transform_2, window_bounds = array<i64: 1, 64>}, {pipeline_mode = #tpu.pipeline_mode<synchronous>, transform_indices = @transform_3, window_bounds = array<i64: 64, 64>}, {pipeline_mode = #tpu.pipeline_mode<synchronous>, transform_indices = @transform_4, window_bounds = array<i64: 1, 64>}, {pipeline_mode = #tpu.pipeline_mode<synchronous>, transform_indices = @transform_5, window_bounds = array<i64: 1, 64>}, {pipeline_mode = #tpu.pipeline_mode<synchronous>, transform_indices = @transform_6, window_bounds = array<i64: 1, 1>}, {transform_indices = @transform_7, window_bounds = array<i64: 4096, 128>}, {transform_indices = @transform_8, window_bounds = array<i64: 1, 1, 4096>}]} {
    %get3A = arith.constant 0 : index
    %get3A_0 = arith.constant 0 : index
    %get3A_1 = vector.load %arg1[%get3A, %get3A_0] : memref<4096x128xf32, #tpu.memory_space<vmem>>, vector<4096x128xf32>
    %get3A_2 = arith.constant 0 : index
    %get3A_3 = arith.constant 0 : index
    %get3A_4 = vector.load %arg2[%get3A_2, %get3A_3] : memref<64x128xf32, #tpu.memory_space<vmem>>, vector<64x128xf32>
    %dot_general3A = arith.constant dense<0.000000e+00> : vector<4096x64xf32>
    %dot_general3A_5 = tpu.matmul %get3A_1, %get3A_4, %dot_general3A {dimension_numbers = #tpu.dot_dimension_numbers<[1], [1], [0], [0], [0, 0, 1, 0], [], []>, transpose_lhs_hint = false} : vector<4096x128xf32>, vector<64x128xf32>, vector<4096x64xf32> -> vector<4096x64xf32>
    %get3A_6 = arith.constant 0 : index
    %get3A_7 = arith.constant 0 : index
    %get3A_8 = vector.load %arg3[%get3A_6, %get3A_7] : memref<1x64xf32, #tpu.memory_space<vmem>>, vector<1x64xf32>
    %add3A = vector.broadcast %get3A_8 : vector<1x64xf32> to vector<4096x64xf32>
    %add3A_9 = arith.addf %dot_general3A_5, %add3A : vector<4096x64xf32>
    %max3A = arith.constant 0.000000e+00 : f32
    %max3A_10 = vector.broadcast %max3A : f32 to vector<4096x64xf32>
    %max3A_11 = arith.maximumf %add3A_9, %max3A_10 : vector<4096x64xf32>
    %get3A_12 = arith.constant 0 : index
    %get3A_13 = arith.constant 0 : index
    %get3A_14 = vector.load %arg4[%get3A_12, %get3A_13] : memref<64x64xf32, #tpu.memory_space<vmem>>, vector<64x64xf32>
    %dot_general3A_15 = arith.constant dense<0.000000e+00> : vector<4096x64xf32>
    %dot_general3A_16 = tpu.matmul %max3A_11, %get3A_14, %dot_general3A_15 {dimension_numbers = #tpu.dot_dimension_numbers<[1], [1], [0], [0], [0, 0, 1, 0], [], []>, transpose_lhs_hint = false} : vector<4096x64xf32>, vector<64x64xf32>, vector<4096x64xf32> -> vector<4096x64xf32>
    %get3A_17 = arith.constant 0 : index
    %get3A_18 = arith.constant 0 : index
    %get3A_19 = vector.load %arg5[%get3A_17, %get3A_18] : memref<1x64xf32, #tpu.memory_space<vmem>>, vector<1x64xf32>
    %add3A_20 = vector.broadcast %get3A_19 : vector<1x64xf32> to vector<4096x64xf32>
    %add3A_21 = arith.addf %dot_general3A_16, %add3A_20 : vector<4096x64xf32>
    %get3A_22 = arith.constant 0 : index
    %get3A_23 = arith.constant 0 : index
    %get3A_24 = vector.load %arg6[%get3A_22, %get3A_23] : memref<1x64xf32, #tpu.memory_space<vmem>>, vector<1x64xf32>
    %dot_general3A_25 = arith.constant dense<0.000000e+00> : vector<1x4096xf32>
    %dot_general3A_26 = tpu.matmul %get3A_24, %add3A_21, %dot_general3A_25 {dimension_numbers = #tpu.dot_dimension_numbers<[1], [1], [0], [0], [0, 0, 1, 0], [], []>, transpose_lhs_hint = false} : vector<1x64xf32>, vector<4096x64xf32>, vector<1x4096xf32> -> vector<1x4096xf32>
    %get3A_27 = arith.constant 0 : index
    %get3A_28 = arith.constant 0 : index
    %get3A_29 = vector.load %arg7[%get3A_27, %get3A_28] : memref<1x1xf32, #tpu.memory_space<vmem>>, vector<1x1xf32>
    %get3A_30 = vector.extract %get3A_29[0, 0] : f32 from vector<1x1xf32>
    %add3A_31 = vector.broadcast %get3A_30 : f32 to vector<1x4096xf32>
    %add3A_32 = arith.addf %dot_general3A_26, %add3A_31 : vector<1x4096xf32>
    %get3A_33 = arith.constant 0 : index
    %get3A_34 = arith.constant 0 : index
    %get3A_35 = vector.load %arg6[%get3A_33, %get3A_34] : memref<1x64xf32, #tpu.memory_space<vmem>>, vector<1x64xf32>
    %mul3A = vector.broadcast %get3A_35 : vector<1x64xf32> to vector<4096x64xf32>
    %mul3A_36 = arith.mulf %add3A_21, %mul3A : vector<4096x64xf32>
    %reduce_sum3A = arith.constant dense<0.000000e+00> : vector<4096xf32>
    %reduce_sum3A_37 = vector.multi_reduction <add>, %mul3A_36, %reduce_sum3A [1] : vector<4096x64xf32> to vector<4096xf32>
    %broadcast_in_dim3A = vector.shape_cast %reduce_sum3A_37 : vector<4096xf32> to vector<4096x1xf32>
    %get3A_38 = arith.constant 0 : index
    %get3A_39 = arith.constant 0 : index
    %get3A_40 = vector.load %arg7[%get3A_38, %get3A_39] : memref<1x1xf32, #tpu.memory_space<vmem>>, vector<1x1xf32>
    %get3A_41 = vector.extract %get3A_40[0, 0] : f32 from vector<1x1xf32>
    %add3A_42 = vector.broadcast %get3A_41 : f32 to vector<4096x1xf32>
    %add3A_43 = arith.addf %broadcast_in_dim3A, %add3A_42 : vector<4096x1xf32>
    %broadcast_in_dim3A_44 = arith.constant 0.000000e+00 : f32
    %broadcast_in_dim3A_45 = vector.broadcast %broadcast_in_dim3A_44 : f32 to vector<4096x63xf32>
    %concatenate3A = tpu.concatenate %add3A_21, %add3A_43, %broadcast_in_dim3A_45 in 1 : vector<4096x64xf32>, vector<4096x1xf32>, vector<4096x63xf32> -> vector<4096x128xf32>
    %swap3A = arith.constant 0 : index
    %swap3A_46 = arith.constant 0 : index
    %swap3A_47 = vector.load %arg8[%swap3A, %swap3A_46] : memref<4096x128xf32, #tpu.memory_space<vmem>>, vector<4096x128xf32>
    tpu.vector_store %arg8[%swap3A, %swap3A_46], %concatenate3A {strides = array<i32>} : memref<4096x128xf32, #tpu.memory_space<vmem>>, vector<4096x128xf32>,
    %broadcast_in_dim3A_48 = vector.shape_cast %add3A_32 : vector<1x4096xf32> to vector<1x1x4096xf32>
    %swap3A_49 = arith.constant 0 : index
    %swap3A_50 = arith.constant 0 : index
    %swap3A_51 = arith.constant 0 : index
    %swap3A_52 = vector.load %arg9[%swap3A_49, %swap3A_50, %swap3A_51] : memref<1x1x4096xf32, #tpu.memory_space<vmem>>, vector<1x1x4096xf32>
    tpu.vector_store %arg9[%swap3A_49, %swap3A_50, %swap3A_51], %broadcast_in_dim3A_48 {strides = array<i32>} : memref<1x1x4096xf32, #tpu.memory_space<vmem>>, vector<1x1x4096xf32>,
    return
  }
  func.func @transform_0(%arg0: i32) -> (i32, i32) {
    %c0_i32 = arith.constant 0 : i32
    %c0_i32_0 = arith.constant 0 : i32
    return %arg0, %c0_i32 : i32, i32
  }
  func.func @transform_1(%arg0: i32) -> (i32, i32) {
    %c0_i32 = arith.constant 0 : i32
    %c0_i32_0 = arith.constant 0 : i32
    %c0_i32_1 = arith.constant 0 : i32
    return %c0_i32, %c0_i32_0 : i32, i32
  }
  func.func @transform_2(%arg0: i32) -> (i32, i32) {
    %c0_i32 = arith.constant 0 : i32
    %c0_i32_0 = arith.constant 0 : i32
    %c0_i32_1 = arith.constant 0 : i32
    return %c0_i32, %c0_i32_0 : i32, i32
  }
  func.func @transform_3(%arg0: i32) -> (i32, i32) {
    %c0_i32 = arith.constant 0 : i32
    %c0_i32_0 = arith.constant 0 : i32
    %c0_i32_1 = arith.constant 0 : i32
    return %c0_i32, %c0_i32_0 : i32, i32
  }
  func.func @transform_4(%arg0: i32) -> (i32, i32) {
    %c0_i32 = arith.constant 0 : i32
    %c0_i32_0 = arith.constant 0 : i32
    %c0_i32_1 = arith.constant 0 : i32
    return %c0_i32, %c0_i32_0 : i32, i32
  }
  func.func @transform_5(%arg0: i32) -> (i32, i32) {
    %c0_i32 = arith.constant 0 : i32
    %c0_i32_0 = arith.constant 0 : i32
    %c0_i32_1 = arith.constant 0 : i32
    return %c0_i32, %c0_i32_0 : i32, i32
  }
  func.func @transform_6(%arg0: i32) -> (i32, i32) {
    %c0_i32 = arith.constant 0 : i32
    %c0_i32_0 = arith.constant 0 : i32
    %c0_i32_1 = arith.constant 0 : i32
    return %c0_i32, %c0_i32_0 : i32, i32
  }
  func.func @transform_7(%arg0: i32) -> (i32, i32) {
    %c0_i32 = arith.constant 0 : i32
    %c0_i32_0 = arith.constant 0 : i32
    return %arg0, %c0_i32 : i32, i32
  }
  func.func @transform_8(%arg0: i32) -> (i32, i32, i32) {
    %c0_i32 = arith.constant 0 : i32
    %c0_i32_0 = arith.constant 0 : i32
    %c0_i32_1 = arith.constant 0 : i32
    return %arg0, %c0_i32, %c0_i32_0 : i32, i32, i32
  }
}

module attributes {stable_mosaic.version = 14 : i64} {
  func.func @_conv_body(%arg0: i32, %arg1: memref<8x128xf32, #tpu.memory_space<vmem>>, %arg2: memref<4096x128xf32, #tpu.memory_space<vmem>>, %arg3: memref<8x128xf32, #tpu.memory_space<vmem>>, %arg4: memref<320x64xf32, #tpu.memory_space<vmem>>, %arg5: memref<1x64xf32, #tpu.memory_space<vmem>>, %arg6: memref<320x64xf32, #tpu.memory_space<vmem>>, %arg7: memref<1x64xf32, #tpu.memory_space<vmem>>, %arg8: memref<16x64xf32, #tpu.memory_space<vmem>>, %arg9: memref<16x64xf32, #tpu.memory_space<vmem>>, %arg10: memref<1x16xf32, #tpu.memory_space<vmem>>, %arg11: memref<4096x16xf32, #tpu.memory_space<vmem>>) attributes {dimension_semantics = [#tpu.dimension_semantics<arbitrary>], iteration_bounds = array<i64: 25>, scalar_prefetch = 0 : i64, scratch_operands = 0 : i64, tpu.core_type = #tpu.core_type<tc>, window_params = [{transform_indices = @transform_0, window_bounds = array<i64: 8, 128>}, {transform_indices = @transform_1, window_bounds = array<i64: 4096, 128>}, {transform_indices = @transform_2, window_bounds = array<i64: 8, 128>}, {pipeline_mode = #tpu.pipeline_mode<synchronous>, transform_indices = @transform_3, window_bounds = array<i64: 320, 64>}, {pipeline_mode = #tpu.pipeline_mode<synchronous>, transform_indices = @transform_4, window_bounds = array<i64: 1, 64>}, {pipeline_mode = #tpu.pipeline_mode<synchronous>, transform_indices = @transform_5, window_bounds = array<i64: 320, 64>}, {pipeline_mode = #tpu.pipeline_mode<synchronous>, transform_indices = @transform_6, window_bounds = array<i64: 1, 64>}, {pipeline_mode = #tpu.pipeline_mode<synchronous>, transform_indices = @transform_7, window_bounds = array<i64: 16, 64>}, {pipeline_mode = #tpu.pipeline_mode<synchronous>, transform_indices = @transform_8, window_bounds = array<i64: 16, 64>}, {pipeline_mode = #tpu.pipeline_mode<synchronous>, transform_indices = @transform_9, window_bounds = array<i64: 1, 16>}, {transform_indices = @transform_10, window_bounds = array<i64: 4096, 16>}]} {
    %get3A = arith.constant 4 : index
    %get3A_0 = arith.constant 0 : index
    %get3A_1 = vector.load %arg1[%get3A, %get3A_0] : memref<8x128xf32, #tpu.memory_space<vmem>>, vector<4x128xf32>
    %get3A_2 = arith.constant 0 : index
    %get3A_3 = arith.constant 0 : index
    %get3A_4 = vector.load %arg2[%get3A_2, %get3A_3] : memref<4096x128xf32, #tpu.memory_space<vmem>>, vector<4096x128xf32>
    %get3A_5 = arith.constant 0 : index
    %get3A_6 = arith.constant 0 : index
    %get3A_7 = vector.load %arg3[%get3A_5, %get3A_6] : memref<8x128xf32, #tpu.memory_space<vmem>>, vector<4x128xf32>
    %concatenate3A = tpu.concatenate %get3A_1, %get3A_4, %get3A_7 in 0 : vector<4x128xf32>, vector<4096x128xf32>, vector<4x128xf32> -> vector<4104x128xf32>
    %slice3A = vector.extract_strided_slice %concatenate3A {offsets = [4, 0], sizes = [4096, 64], strides = [1, 1]} : vector<4104x128xf32> to vector<4096x64xf32>
    %slice3A_8 = vector.extract_strided_slice %concatenate3A {offsets = [0, 0], sizes = [4104, 64], strides = [1, 1]} : vector<4104x128xf32> to vector<4104x64xf32>
    %slice3A_9 = vector.extract_strided_slice %concatenate3A {offsets = [0, 64], sizes = [4104, 1], strides = [1, 1]} : vector<4104x128xf32> to vector<4104x1xf32>
    %mul3A = vector.broadcast %slice3A_9 : vector<4104x1xf32> to vector<4104x64xf32>
    %mul3A_10 = arith.mulf %slice3A_8, %mul3A : vector<4104x64xf32>
    %iota3A = tpu.iota {dimensions = array<i32: 0>} : vector<4104x64xi32>
    %mul3A_11 = arith.constant 4096 : i32
    %mul3A_12 = arith.muli %arg0, %mul3A_11 : i32
    %sub3A = arith.constant 4 : i32
    %sub3A_13 = arith.subi %mul3A_12, %sub3A : i32
    %add3A = vector.broadcast %sub3A_13 : i32 to vector<4104x64xi32>
    %add3A_14 = arith.addi %iota3A, %add3A : vector<4104x64xi32>
    %ge3A = arith.constant 0 : i32
    %ge3A_15 = vector.broadcast %ge3A : i32 to vector<4104x64xi32>
    %ge3A_16 = arith.cmpi sge, %add3A_14, %ge3A_15 : vector<4104x64xi32>
    %lt3A = arith.constant 100000 : i32
    %lt3A_17 = vector.broadcast %lt3A : i32 to vector<4104x64xi32>
    %lt3A_18 = arith.cmpi slt, %add3A_14, %lt3A_17 : vector<4104x64xi32>
    %and3A = arith.andi %ge3A_16, %lt3A_18 : vector<4104x64xi1>
    %jit3A = arith.constant 0.000000e+00 : f32
    %broadcast_in_dim3A = vector.broadcast %jit3A : f32 to vector<4104x64xf32>
    %select_n3A = arith.select %and3A, %mul3A_10, %broadcast_in_dim3A : vector<4104x64xi1>, vector<4104x64xf32>
    %get3A_19 = arith.constant 0 : index
    %get3A_20 = arith.constant 0 : index
    %get3A_21 = vector.load %arg5[%get3A_19, %get3A_20] : memref<1x64xf32, #tpu.memory_space<vmem>>, vector<1x64xf32>
    %slice3A_22 = vector.extract_strided_slice %select_n3A {offsets = [0, 0], sizes = [4100, 64], strides = [1, 1]} : vector<4104x64xf32> to vector<4100x64xf32>
    %get3A_23 = arith.constant 0 : index
    %get3A_24 = arith.constant 0 : index
    %get3A_25 = vector.load %arg4[%get3A_23, %get3A_24] : memref<320x64xf32, #tpu.memory_space<vmem>>, vector<64x64xf32>
    %dot_general3A = arith.constant dense<0.000000e+00> : vector<4100x64xf32>
    %dot_general3A_26 = tpu.matmul %slice3A_22, %get3A_25, %dot_general3A {dimension_numbers = #tpu.dot_dimension_numbers<[1], [0], [0], [1], [0, 0, 1, 1], [], []>, transpose_lhs_hint = false} : vector<4100x64xf32>, vector<64x64xf32>, vector<4100x64xf32> -> vector<4100x64xf32>
    %add3A_27 = vector.broadcast %get3A_21 : vector<1x64xf32> to vector<4100x64xf32>
    %add3A_28 = arith.addf %add3A_27, %dot_general3A_26 : vector<4100x64xf32>
    %slice3A_29 = vector.extract_strided_slice %select_n3A {offsets = [1, 0], sizes = [4100, 64], strides = [1, 1]} : vector<4104x64xf32> to vector<4100x64xf32>
    %get3A_30 = arith.constant 64 : index
    %get3A_31 = arith.constant 0 : index
    %get3A_32 = vector.load %arg4[%get3A_30, %get3A_31] : memref<320x64xf32, #tpu.memory_space<vmem>>, vector<64x64xf32>
    %dot_general3A_33 = arith.constant dense<0.000000e+00> : vector<4100x64xf32>
    %dot_general3A_34 = tpu.matmul %slice3A_29, %get3A_32, %dot_general3A_33 {dimension_numbers = #tpu.dot_dimension_numbers<[1], [0], [0], [1], [0, 0, 1, 1], [], []>, transpose_lhs_hint = false} : vector<4100x64xf32>, vector<64x64xf32>, vector<4100x64xf32> -> vector<4100x64xf32>
    %add3A_35 = arith.addf %add3A_28, %dot_general3A_34 : vector<4100x64xf32>
    %slice3A_36 = vector.extract_strided_slice %select_n3A {offsets = [2, 0], sizes = [4100, 64], strides = [1, 1]} : vector<4104x64xf32> to vector<4100x64xf32>
    %get3A_37 = arith.constant 128 : index
    %get3A_38 = arith.constant 0 : index
    %get3A_39 = vector.load %arg4[%get3A_37, %get3A_38] : memref<320x64xf32, #tpu.memory_space<vmem>>, vector<64x64xf32>
    %dot_general3A_40 = arith.constant dense<0.000000e+00> : vector<4100x64xf32>
    %dot_general3A_41 = tpu.matmul %slice3A_36, %get3A_39, %dot_general3A_40 {dimension_numbers = #tpu.dot_dimension_numbers<[1], [0], [0], [1], [0, 0, 1, 1], [], []>, transpose_lhs_hint = false} : vector<4100x64xf32>, vector<64x64xf32>, vector<4100x64xf32> -> vector<4100x64xf32>
    %add3A_42 = arith.addf %add3A_35, %dot_general3A_41 : vector<4100x64xf32>
    %slice3A_43 = vector.extract_strided_slice %select_n3A {offsets = [3, 0], sizes = [4100, 64], strides = [1, 1]} : vector<4104x64xf32> to vector<4100x64xf32>
    %get3A_44 = arith.constant 192 : index
    %get3A_45 = arith.constant 0 : index
    %get3A_46 = vector.load %arg4[%get3A_44, %get3A_45] : memref<320x64xf32, #tpu.memory_space<vmem>>, vector<64x64xf32>
    %dot_general3A_47 = arith.constant dense<0.000000e+00> : vector<4100x64xf32>
    %dot_general3A_48 = tpu.matmul %slice3A_43, %get3A_46, %dot_general3A_47 {dimension_numbers = #tpu.dot_dimension_numbers<[1], [0], [0], [1], [0, 0, 1, 1], [], []>, transpose_lhs_hint = false} : vector<4100x64xf32>, vector<64x64xf32>, vector<4100x64xf32> -> vector<4100x64xf32>
    %add3A_49 = arith.addf %add3A_42, %dot_general3A_48 : vector<4100x64xf32>
    %slice3A_50 = vector.extract_strided_slice %select_n3A {offsets = [4, 0], sizes = [4100, 64], strides = [1, 1]} : vector<4104x64xf32> to vector<4100x64xf32>
    %get3A_51 = arith.constant 256 : index
    %get3A_52 = arith.constant 0 : index
    %get3A_53 = vector.load %arg4[%get3A_51, %get3A_52] : memref<320x64xf32, #tpu.memory_space<vmem>>, vector<64x64xf32>
    %dot_general3A_54 = arith.constant dense<0.000000e+00> : vector<4100x64xf32>
    %dot_general3A_55 = tpu.matmul %slice3A_50, %get3A_53, %dot_general3A_54 {dimension_numbers = #tpu.dot_dimension_numbers<[1], [0], [0], [1], [0, 0, 1, 1], [], []>, transpose_lhs_hint = false} : vector<4100x64xf32>, vector<64x64xf32>, vector<4100x64xf32> -> vector<4100x64xf32>
    %add3A_56 = arith.addf %add3A_49, %dot_general3A_55 : vector<4100x64xf32>
    %max3A = arith.constant 0.000000e+00 : f32
    %max3A_57 = vector.broadcast %max3A : f32 to vector<4100x64xf32>
    %max3A_58 = arith.maximumf %add3A_56, %max3A_57 : vector<4100x64xf32>
    %get3A_59 = arith.constant 0 : index
    %get3A_60 = arith.constant 0 : index
    %get3A_61 = vector.load %arg7[%get3A_59, %get3A_60] : memref<1x64xf32, #tpu.memory_space<vmem>>, vector<1x64xf32>
    %slice3A_62 = vector.extract_strided_slice %max3A_58 {offsets = [0, 0], sizes = [4096, 64], strides = [1, 1]} : vector<4100x64xf32> to vector<4096x64xf32>
    %get3A_63 = arith.constant 0 : index
    %get3A_64 = arith.constant 0 : index
    %get3A_65 = vector.load %arg6[%get3A_63, %get3A_64] : memref<320x64xf32, #tpu.memory_space<vmem>>, vector<64x64xf32>
    %dot_general3A_66 = arith.constant dense<0.000000e+00> : vector<4096x64xf32>
    %dot_general3A_67 = tpu.matmul %slice3A_62, %get3A_65, %dot_general3A_66 {dimension_numbers = #tpu.dot_dimension_numbers<[1], [0], [0], [1], [0, 0, 1, 1], [], []>, transpose_lhs_hint = false} : vector<4096x64xf32>, vector<64x64xf32>, vector<4096x64xf32> -> vector<4096x64xf32>
    %add3A_68 = vector.broadcast %get3A_61 : vector<1x64xf32> to vector<4096x64xf32>
    %add3A_69 = arith.addf %add3A_68, %dot_general3A_67 : vector<4096x64xf32>
    %slice3A_70 = vector.extract_strided_slice %max3A_58 {offsets = [1, 0], sizes = [4096, 64], strides = [1, 1]} : vector<4100x64xf32> to vector<4096x64xf32>
    %get3A_71 = arith.constant 64 : index
    %get3A_72 = arith.constant 0 : index
    %get3A_73 = vector.load %arg6[%get3A_71, %get3A_72] : memref<320x64xf32, #tpu.memory_space<vmem>>, vector<64x64xf32>
    %dot_general3A_74 = arith.constant dense<0.000000e+00> : vector<4096x64xf32>
    %dot_general3A_75 = tpu.matmul %slice3A_70, %get3A_73, %dot_general3A_74 {dimension_numbers = #tpu.dot_dimension_numbers<[1], [0], [0], [1], [0, 0, 1, 1], [], []>, transpose_lhs_hint = false} : vector<4096x64xf32>, vector<64x64xf32>, vector<4096x64xf32> -> vector<4096x64xf32>
    %add3A_76 = arith.addf %add3A_69, %dot_general3A_75 : vector<4096x64xf32>
    %slice3A_77 = vector.extract_strided_slice %max3A_58 {offsets = [2, 0], sizes = [4096, 64], strides = [1, 1]} : vector<4100x64xf32> to vector<4096x64xf32>
    %get3A_78 = arith.constant 128 : index
    %get3A_79 = arith.constant 0 : index
    %get3A_80 = vector.load %arg6[%get3A_78, %get3A_79] : memref<320x64xf32, #tpu.memory_space<vmem>>, vector<64x64xf32>
    %dot_general3A_81 = arith.constant dense<0.000000e+00> : vector<4096x64xf32>
    %dot_general3A_82 = tpu.matmul %slice3A_77, %get3A_80, %dot_general3A_81 {dimension_numbers = #tpu.dot_dimension_numbers<[1], [0], [0], [1], [0, 0, 1, 1], [], []>, transpose_lhs_hint = false} : vector<4096x64xf32>, vector<64x64xf32>, vector<4096x64xf32> -> vector<4096x64xf32>
    %add3A_83 = arith.addf %add3A_76, %dot_general3A_82 : vector<4096x64xf32>
    %slice3A_84 = vector.extract_strided_slice %max3A_58 {offsets = [3, 0], sizes = [4096, 64], strides = [1, 1]} : vector<4100x64xf32> to vector<4096x64xf32>
    %get3A_85 = arith.constant 192 : index
    %get3A_86 = arith.constant 0 : index
    %get3A_87 = vector.load %arg6[%get3A_85, %get3A_86] : memref<320x64xf32, #tpu.memory_space<vmem>>, vector<64x64xf32>
    %dot_general3A_88 = arith.constant dense<0.000000e+00> : vector<4096x64xf32>
    %dot_general3A_89 = tpu.matmul %slice3A_84, %get3A_87, %dot_general3A_88 {dimension_numbers = #tpu.dot_dimension_numbers<[1], [0], [0], [1], [0, 0, 1, 1], [], []>, transpose_lhs_hint = false} : vector<4096x64xf32>, vector<64x64xf32>, vector<4096x64xf32> -> vector<4096x64xf32>
    %add3A_90 = arith.addf %add3A_83, %dot_general3A_89 : vector<4096x64xf32>
    %slice3A_91 = vector.extract_strided_slice %max3A_58 {offsets = [4, 0], sizes = [4096, 64], strides = [1, 1]} : vector<4100x64xf32> to vector<4096x64xf32>
    %get3A_92 = arith.constant 256 : index
    %get3A_93 = arith.constant 0 : index
    %get3A_94 = vector.load %arg6[%get3A_92, %get3A_93] : memref<320x64xf32, #tpu.memory_space<vmem>>, vector<64x64xf32>
    %dot_general3A_95 = arith.constant dense<0.000000e+00> : vector<4096x64xf32>
    %dot_general3A_96 = tpu.matmul %slice3A_91, %get3A_94, %dot_general3A_95 {dimension_numbers = #tpu.dot_dimension_numbers<[1], [0], [0], [1], [0, 0, 1, 1], [], []>, transpose_lhs_hint = false} : vector<4096x64xf32>, vector<64x64xf32>, vector<4096x64xf32> -> vector<4096x64xf32>
    %add3A_97 = arith.addf %add3A_90, %dot_general3A_96 : vector<4096x64xf32>
    %get3A_98 = arith.constant 0 : index
    %get3A_99 = arith.constant 0 : index
    %get3A_100 = vector.load %arg8[%get3A_98, %get3A_99] : memref<16x64xf32, #tpu.memory_space<vmem>>, vector<16x64xf32>
    %dot_general3A_101 = arith.constant dense<0.000000e+00> : vector<4096x16xf32>
    %dot_general3A_102 = tpu.matmul %slice3A, %get3A_100, %dot_general3A_101 {dimension_numbers = #tpu.dot_dimension_numbers<[1], [1], [0], [0], [0, 0, 1, 0], [], []>, transpose_lhs_hint = false} : vector<4096x64xf32>, vector<16x64xf32>, vector<4096x16xf32> -> vector<4096x16xf32>
    %get3A_103 = arith.constant 0 : index
    %get3A_104 = arith.constant 0 : index
    %get3A_105 = vector.load %arg9[%get3A_103, %get3A_104] : memref<16x64xf32, #tpu.memory_space<vmem>>, vector<16x64xf32>
    %dot_general3A_106 = arith.constant dense<0.000000e+00> : vector<4096x16xf32>
    %dot_general3A_107 = tpu.matmul %add3A_97, %get3A_105, %dot_general3A_106 {dimension_numbers = #tpu.dot_dimension_numbers<[1], [1], [0], [0], [0, 0, 1, 0], [], []>, transpose_lhs_hint = false} : vector<4096x64xf32>, vector<16x64xf32>, vector<4096x16xf32> -> vector<4096x16xf32>
    %add3A_108 = arith.addf %dot_general3A_102, %dot_general3A_107 : vector<4096x16xf32>
    %get3A_109 = arith.constant 0 : index
    %get3A_110 = arith.constant 0 : index
    %get3A_111 = vector.load %arg10[%get3A_109, %get3A_110] : memref<1x16xf32, #tpu.memory_space<vmem>>, vector<1x16xf32>
    %add3A_112 = vector.broadcast %get3A_111 : vector<1x16xf32> to vector<4096x16xf32>
    %add3A_113 = arith.addf %add3A_108, %add3A_112 : vector<4096x16xf32>
    %reduce_max3A = arith.constant dense<0xFF800000> : vector<4096xf32>
    %reduce_max3A_114 = vector.multi_reduction <maximumf>, %add3A_113, %reduce_max3A [1] : vector<4096x16xf32> to vector<4096xf32>
    %broadcast_in_dim3A_115 = vector.shape_cast %reduce_max3A_114 : vector<4096xf32> to vector<4096x1xf32>
    %sub3A_116 = vector.broadcast %broadcast_in_dim3A_115 : vector<4096x1xf32> to vector<4096x16xf32>
    %sub3A_117 = arith.subf %add3A_113, %sub3A_116 : vector<4096x16xf32>
    %exp3A = math.exp %sub3A_117 : vector<4096x16xf32>
    %reduce_sum3A = arith.constant dense<0.000000e+00> : vector<4096xf32>
    %reduce_sum3A_118 = vector.multi_reduction <add>, %exp3A, %reduce_sum3A [1] : vector<4096x16xf32> to vector<4096xf32>
    %broadcast_in_dim3A_119 = vector.shape_cast %reduce_sum3A_118 : vector<4096xf32> to vector<4096x1xf32>
    %sub3A_120 = vector.broadcast %broadcast_in_dim3A_115 : vector<4096x1xf32> to vector<4096x16xf32>
    %sub3A_121 = arith.subf %add3A_113, %sub3A_120 : vector<4096x16xf32>
    %log3A = math.log %broadcast_in_dim3A_119 : vector<4096x1xf32>
    %sub3A_122 = vector.broadcast %log3A : vector<4096x1xf32> to vector<4096x16xf32>
    %sub3A_123 = arith.subf %sub3A_121, %sub3A_122 : vector<4096x16xf32>
    %swap3A = arith.constant 0 : index
    %swap3A_124 = arith.constant 0 : index
    %swap3A_125 = vector.load %arg11[%swap3A, %swap3A_124] : memref<4096x16xf32, #tpu.memory_space<vmem>>, vector<4096x16xf32>
    tpu.vector_store %arg11[%swap3A, %swap3A_124], %sub3A_123 {strides = array<i32>} : memref<4096x16xf32, #tpu.memory_space<vmem>>, vector<4096x16xf32>,
    return
  }
  func.func @transform_0(%arg0: i32) -> (i32, i32) {
    %mul3A = arith.constant 512 : i32
    %mul3A_0 = arith.muli %arg0, %mul3A : i32
    %sub3A = arith.constant 1 : i32
    %sub3A_1 = arith.subi %mul3A_0, %sub3A : i32
    %max3A = arith.constant 0 : i32
    %max3A_2 = arith.maxsi %sub3A_1, %max3A : i32
    %c0_i32 = arith.constant 0 : i32
    %c0_i32_3 = arith.constant 0 : i32
    return %max3A_2, %c0_i32 : i32, i32
  }
  func.func @transform_1(%arg0: i32) -> (i32, i32) {
    %c0_i32 = arith.constant 0 : i32
    %c0_i32_0 = arith.constant 0 : i32
    return %arg0, %c0_i32 : i32, i32
  }
  func.func @transform_2(%arg0: i32) -> (i32, i32) {
    %add3A = arith.constant 1 : i32
    %add3A_0 = arith.addi %arg0, %add3A : i32
    %mul3A = arith.constant 512 : i32
    %mul3A_1 = arith.muli %add3A_0, %mul3A : i32
    %min3A = arith.constant 12799 : i32
    %min3A_2 = arith.minsi %mul3A_1, %min3A : i32
    %c0_i32 = arith.constant 0 : i32
    %c0_i32_3 = arith.constant 0 : i32
    return %min3A_2, %c0_i32 : i32, i32
  }
  func.func @transform_3(%arg0: i32) -> (i32, i32) {
    %c0_i32 = arith.constant 0 : i32
    %c0_i32_0 = arith.constant 0 : i32
    %c0_i32_1 = arith.constant 0 : i32
    return %c0_i32, %c0_i32_0 : i32, i32
  }
  func.func @transform_4(%arg0: i32) -> (i32, i32) {
    %c0_i32 = arith.constant 0 : i32
    %c0_i32_0 = arith.constant 0 : i32
    %c0_i32_1 = arith.constant 0 : i32
    return %c0_i32, %c0_i32_0 : i32, i32
  }
  func.func @transform_5(%arg0: i32) -> (i32, i32) {
    %c0_i32 = arith.constant 0 : i32
    %c0_i32_0 = arith.constant 0 : i32
    %c0_i32_1 = arith.constant 0 : i32
    return %c0_i32, %c0_i32_0 : i32, i32
  }
  func.func @transform_6(%arg0: i32) -> (i32, i32) {
    %c0_i32 = arith.constant 0 : i32
    %c0_i32_0 = arith.constant 0 : i32
    %c0_i32_1 = arith.constant 0 : i32
    return %c0_i32, %c0_i32_0 : i32, i32
  }
  func.func @transform_7(%arg0: i32) -> (i32, i32) {
    %c0_i32 = arith.constant 0 : i32
    %c0_i32_0 = arith.constant 0 : i32
    %c0_i32_1 = arith.constant 0 : i32
    return %c0_i32, %c0_i32_0 : i32, i32
  }
  func.func @transform_8(%arg0: i32) -> (i32, i32) {
    %c0_i32 = arith.constant 0 : i32
    %c0_i32_0 = arith.constant 0 : i32
    %c0_i32_1 = arith.constant 0 : i32
    return %c0_i32, %c0_i32_0 : i32, i32
  }
  func.func @transform_9(%arg0: i32) -> (i32, i32) {
    %c0_i32 = arith.constant 0 : i32
    %c0_i32_0 = arith.constant 0 : i32
    %c0_i32_1 = arith.constant 0 : i32
    return %c0_i32, %c0_i32_0 : i32, i32
  }
  func.func @transform_10(%arg0: i32) -> (i32, i32) {
    %c0_i32 = arith.constant 0 : i32
    %c0_i32_0 = arith.constant 0 : i32
    return %arg0, %c0_i32 : i32, i32
  }
}

</mosaic_0001>

<sc_bundles>
// kernel: kernel.10.cloned.1.call-start
scs
__scs_entry_jumppad:
0x0: {  	(pc) =	sbr.rel $0x88, $3  }
0x1: {  	(tag) =	ssettag $0x0;
	lr =	simm.s32 $0x1  }
0x2: {  	[smem:$0x3F94] =	sst lr;
	_ =	strace $0xD0000000  }
0x3: {  	_ = 	snop  }
0x4: {  	_ = 	snop  }
0x5: {  	_ = 	snop  }
0x6: {  	_ = 	snop  }
0x7: {  	_ = 	snop  }
__scs_overlays_trampoline_lowered:
0x8: {  	[smem:$0x3FA3] =	sst s0  }
0x9: {  	[smem:$0x3FA4] =	sst s1  }
0xa: {  	[smem:$0x3FA5] =	sst s2  }
0xb: {  	[smem:$0x3FA6] =	sst s3  }
0xc: {  	[smem:$0x3FA7] =	sst s4  }
0xd: {  	[smem:$0x3FA8] =	sst s5  }
0xe: {  	[smem:$0x3FA9] =	sst s6  }
0xf: {  	[smem:$0x3FAA] =	sst s7  }
0x10: {  	[smem:$0x3FAB] =	sst s8  }
0x11: {  	[smem:$0x3FAC] =	sst s9;
	s0 =	simm.s32 @!p0 $0x0  }
0x12: {  	s1 =	sld [smem:$0x3F92];
	s0 =	simm.s32 @p0 $0x1  }
0x13: {  	[smem:$0x3FAD] =	sst s0;
	s0 =	simm.s32 @!p1 $0x0  }
0x14: {  	s2 =	sld [smem:$0x3F91];
	s0 =	simm.s32 @p1 $0x1  }
0x15: {  	[smem:$0x3FAE] =	sst s0;
	s0 =	simm.s32 @!p2 $0x0  }
0x16: {  	s3 =	sld [smem:$0x3FDB];
	s0 =	simm.s32 @p2 $0x1  }
0x17: {  	s4 =	simm.s32 $0x1BF5;
	[smem:$0x3FB0] =	sst s0  }
0x18: {  	s0 =	sld [smem:$0x3F93];
	_ =	swait.ge [sflag:s4], $0x0  }
0x19: {  	s7 =	sld [smem:$0x3F94]  }
0x1a: {  	s8 =	sadd.s32 $0xFFFFE003, lr  }
0x1b: {  	s9 =	sadd.s32 $0xFFFFFEF7, lr;
	s5 =	simm.s32 $0xFFFFFFFF;
	p2 =	slt.u32 s8, $0xFFFFF086  }
0x1c: {  	p1 =	slt.u32 s9, $0xF7A;
	s5 =	simm.s32 @!p2 $0x0  }
0x1d: {  	s5 =	simm.s32 @p1 $0x1;
	p0 =	seq.s32 s7, s2  }
0x1e: {  	s7 =	smul.u32 @!p0 $0xF7A, s2;
	p2 =	seq.s32 @!p0 s5, $0x0  }
0x1f: {  	s9 =	smul.u32 $0xF7A, s1;
	s8 =	simm.s32 @!p0 $0x1BF5;
	p2 =	por !p2, p0  }
0x20: {  	[sflag:s8] =	ssyncset.s32 @!p0 $0xFFFFF086;
	s6 =	sadd.s32 @!p0 s3, s7;
	s7 =	simm.s32 @!p0 $0x108  }
0x21: {  	s3 =	sadd.s32 s3, s9;
	s6 =	sadd.s32 @!p0 $0x88, s6;
	s7 =	simm.s32 @p2 $0x1082  }
0x22: {  	[simem:s7], [sflag:s8] =	dma.local @!p0 [hbm:s6], $0xF7A  }
0x23: {  	s9 =	sor.u32 $0xD0000000, s2;
	s6 =	simm.s32 $0x108;
	_ =	swait.ge @!p0 [sflag:s8], $0x0  }
0x24: {  	s3 =	sadd.s32 $0x88, s3;
	s6 =	simm.s32 @!p1 $0x1082;
	[sflag:s4] =	ssyncset.s32 $0xFFFFF086  }
0x25: {  	[simem:s6], [sflag:s4] =	dma.local [hbm:s3], $0xF7A  }
0x26: {  	[smem:$0x3F94] =	sst s1;
	(tag) =	ssettag s2;
	_ =	strace s9  }
0x27: {  	s1 =	sld [smem:$0x3FA4]  }
0x28: {  	s2 =	sld [smem:$0x3FA5]  }
0x29: {  	s4 =	sld [smem:$0x3FA7]  }
0x2a: {  	p0 =	seq.s32 s5, $0x0;
	s5 =	sld [smem:$0x3FA8]  }
0x2b: {  	s6 =	sld [smem:$0x3FA9]  }
0x2c: {  	s7 =	sld [smem:$0x3FAA]  }
0x2d: {  	s3 =	simm.s32 $0x108;
	s8 =	sld [smem:$0x3FAB]  }
0x2e: {  	s3 =	simm.s32 @!p0 $0x1082;
	s9 =	sld [smem:$0x3FAC]  }
0x2f: {  	lr =	sadd.s32 s0, s3;
	s0 =	sld [smem:$0x3FA3]  }
0x30: {  	s3 =	sld [smem:$0x3FA6]  }
0x31: {  	[smem:$0x3FAF] =	sst s10  }
0x32: {  	s10 =	sld [smem:$0x3FAD];
	_ =	sdelay $0x3  }
0x33: {  	p0 =	seq.s32 s10, $0x1;
	s10 =	sld [smem:$0x3FAF];
	_ =	sdelay $0x3  }
0x34: {  	[smem:$0x3FAF] =	sst s10  }
0x35: {  	s10 =	sld [smem:$0x3FAE];
	_ =	sdelay $0x3  }
0x36: {  	p1 =	seq.s32 s10, $0x1;
	s10 =	sld [smem:$0x3FAF];
	_ =	sdelay $0x3  }
0x37: {  	[smem:$0x3FAF] =	sst s10  }
0x38: {  	s10 =	sld [smem:$0x3FB0]  }
0x39: {  	_ = 	snop;
	(pc) =	sbr.ind lr, $3  }
0x3a: {  	_ = 	snop  }
0x3b: {  	_ = 	snop  }
0x3c: {  	p2 =	seq.s32 s10, $0x1;
	s10 =	sld [smem:$0x3FAF]  }
0x3d: {  	_ =	shalt  }
0x3e: {  	_ =	shalt  }
0x3f: {  	_ =	shalt  }
0x40: {  	_ =	shalt  }
0x41: {  	_ =	shalt  }
0x42: {  	_ =	shalt  }
0x43: {  	_ =	shalt  }
0x44: {  	_ =	shalt  }
0x45: {  	_ =	shalt  }
0x46: {  	_ =	shalt  }
0x47: {  	_ =	shalt  }
0x48: {  	_ =	shalt  }
0x49: {  	_ =	shalt  }
0x4a: {  	_ =	shalt  }
0x4b: {  	_ =	shalt  }
0x4c: {  	_ =	shalt  }
0x4d: {  	_ =	shalt  }
0x4e: {  	_ =	shalt  }
0x4f: {  	_ =	shalt  }
0x50: {  	_ =	shalt  }
0x51: {  	_ =	shalt  }
0x52: {  	_ =	shalt  }
0x53: {  	_ =	shalt  }
0x54: {  	_ =	shalt  }
0x55: {  	_ =	shalt  }
0x56: {  	_ =	shalt  }
0x57: {  	_ =	shalt  }
0x58: {  	_ =	shalt  }
0x59: {  	_ =	shalt  }
0x5a: {  	_ =	shalt  }
0x5b: {  	_ =	shalt  }
0x5c: {  	_ =	shalt  }
0x5d: {  	_ =	shalt  }
0x5e: {  	_ =	shalt  }
0x5f: {  	_ =	shalt  }
0x60: {  	_ =	shalt  }
0x61: {  	_ =	shalt  }
0x62: {  	_ =	shalt  }
0x63: {  	_ =	shalt  }
0x64: {  	_ =	shalt  }
0x65: {  	_ =	shalt  }
0x66: {  	_ =	shalt  }
0x67: {  	_ =	shalt  }
0x68: {  	_ =	shalt  }
0x69: {  	_ =	shalt  }
0x6a: {  	_ =	shalt  }
0x6b: {  	_ =	shalt  }
0x6c: {  	_ =	shalt  }
0x6d: {  	_ =	shalt  }
0x6e: {  	_ =	shalt  }
0x6f: {  	_ =	shalt  }
0x70: {  	_ =	shalt  }
0x71: {  	_ =	shalt  }
0x72: {  	_ =	shalt  }
0x73: {  	_ =	shalt  }
0x74: {  	_ =	shalt  }
0x75: {  	_ =	shalt  }
0x76: {  	_ =	shalt  }
0x77: {  	_ =	shalt  }
0x78: {  	_ =	shalt  }
0x79: {  	_ =	shalt  }
0x7a: {  	_ =	shalt  }
0x7b: {  	_ =	shalt  }
0x7c: {  	_ =	shalt  }
0x7d: {  	_ =	shalt  }
0x7e: {  	_ =	shalt  }
0x7f: {  	_ =	shalt  }
0x80: {  	_ =	shalt  }
0x81: {  	_ =	shalt  }
0x82: {  	_ =	shalt  }
0x83: {  	_ =	shalt  }
0x84: {  	_ =	shalt  }
0x85: {  	_ =	shalt  }
0x86: {  	_ =	shalt  }
0x87: {  	_ =	shalt  }
.Lfunc_end0:
.L_simem_size_0:
called_computation.1_lowered:
.L_overlay_start_0:
0x88: {  	s2 =	sld [smem:$0x3FD9]  }
0x89: {  	s3 =	sld [smem:$0x3FFE];
	_ =	sdelay $0x1  }
0x8a: {  	s1 =	srdreg.scid  }
0x8b: {  	s0 =	sand.u32 $0x1, s1  }
0x8c: {  	s16 =	sshll.u32 s0, $0xA;
	s2 =	sadd.s32 s3, s2  }
0x8d: {  	s2 =	sadd.s32 s2, s16  }
0x8e: {  	[smem:$0x3FBB] =	sst s2  }
0x8f: {  	_ = 	snop  }
0x90: {  	(tm) =	ssettm $0x1  }
0x91: {  	s17 =	sld [smem:$0x3FFB];
	_ =	sdelay $0x3  }
0x92: {  	_ =	strace s17  }
0x93: {  	s2 =	sld [smem:$0x3FFC];
	_ =	sdelay $0x3  }
0x94: {  	_ =	strace s2  }
0x95: {  	s2 =	sld [smem:$0x3FFD];
	_ =	sdelay $0x3  }
0x96: {  	_ =	strace s2  }
0x97: {  	_ =	strace $0x8FFFFFFF  }
0x98: {  	s18 =	sld [smem:$0x3FDB];
	_ =	sdelay $0x1  }
0x99: {  	s19 =	simm.s32 $_scs_section_size  }
0x9a: {  	s4 =	simm.s32 $_size__tile_overlayer_lowered;
	s5 =	simm.s32 $_tile_overlayer_lowered  }
0x9b: {  	s22 =	simm.s32 $0x1BFF;
	s21 =	sshll.u32 s5, $0x1;
	s2 =	sadd.s32 s19, s18  }
0x9c: {  	s6 =	simm.s32 $0x0;
	s20 =	sshll.u32 s4, $0x1;
	s4 =	sadd.s32 s21, s2  }
0x9d: {  	[timem:s6], [sflag:s22] =	dma.local [hbm:s4], s20  }
0x9e: {  	_ =	swait.ge [sflag:s22], s20  }
0x9f: {  	s3 =	ssub.s32 $0x0, s20;
	[sflag:s22] =	ssyncset.done $0x0  }
0xa0: {  	[sflag:s22] =	ssyncadd.s32 s3;
	_ =	sdelay $0x1  }
0xa1: {  	s23 =	simm.s32 $0x1B8B  }
0xa2: {  	_ =	swait.ge [sflag:s23], $0x1  }
0xa3: {  	[sflag:s23] =	ssyncset.done $0x0  }
0xa4: {  	s25 =	simm.s32 $0x1B8E;
	s24 =	sld [smem:$0x3FFE];
	[sflag:s23] =	ssyncadd.s32 $0xFFFFFFFF  }
0xa5: {  	s26 =	simm.s32 $execute0_lowered;
	[smem:$0x3FD2] =	sst s25  }
0xa6: {  	s4 =	sshll.u32 s26, $0x1;
	_ =	strace $0x80000049;
	[dreg:$0x1] =	wrdreg $0xFFFFFFFF  }
0xa7: {  	s28 =	simm.s32 $_size_execute0_lowered;
	s2 =	sadd.s32 s2, s4;
	[dreg:$0x0] =	wrdreg $0x0  }
0xa8: {  	s4 =	sshll.u32 s28, $0x1;
	[dreg:$0x2] =	wrdreg s2  }
0xa9: {  	[dreg:$0x3] =	wrdreg s4  }
0xaa: {  	[dreg:$0x4] =	wrdreg $0xC0  }
0xab: {  	_ =	task [dreg:s6], $0x5FFFF  }
0xac: {  	[dreg:$0x1] =	wrdreg $0xFFFFFFFF  }
0xad: {  	[dreg:$0x0] =	wrdreg $0x60  }
0xae: {  	[dreg:$0x2] =	wrdreg s24  }
0xaf: {  	[dreg:$0x3] =	wrdreg $0x9  }
0xb0: {  	_ =	task.clear_ibuf [dreg:s6], $0x4FFFF;
	_ =	strace $0x90000049  }
0xb1: {  	s29 =	simm.s32 $0x9;
	_ =	strace $0x8000004B  }
0xb2: {  	_ =	swait.ge [sflag:s29], $0x1  }
0xb3: {  	[sflag:s29] =	ssyncadd.s32 $0xFFFFFFFF  }
0xb4: {  	_ =	strace $0x9000004B  }
0xb5: {  	_ =	sfence  }
0xb6: {  	s30 =	sld [smem:$0x0];
	_ =	sdelay $0x2  }
0xb7: {  	s31 =	sshll.u32 s1, $0xD;
	s1 =	sshrl.u32 s1, $0x2  }
0xb8: {  	s3 =	sand.u32 $0x4000, s31;
	s1 =	sadd.s32 s1, s30  }
0xb9: {  	s0 =	sor.u32 s3, s0;
	s1 =	sshll.u32 s1, $0x11  }
0xba: {  	s0 =	sor.u32 s1, s0  }
0xbb: {  	s0 =	sadd.s32 $0x8F2B, s0  }
0xbc: {  	[sflag:s0] =	ssyncadd.remote.s32 $0x1  }
0xbd: {  	_ =	sfence.sel $0xFFFF  }
0xbe: {  	[dreg:$0x0] =	wrdreg $0xFFFFFFFF;
	(pc) =	sbr.abs _section_cstart, $3  }
0xbf: {  	[dreg:$0x1] =	wrdreg $0xFFFFFFFF  }
0xc0: {  	_ =	task.clear_ibuf [dreg:s6], $0x2FFFF;
	_ =	strace $0x9FFFFFFF  }
0xc1: {  	(tm) =	ssettm $0x7FFFFFFF  }
tec
execute0_lowered:
.L_overlay_start_1:
0x0: {  	(tag) =	ssettag $0x1  }
0x1: {  	s1 =	srdreg.scid  }
0x2: {  	s0 =	stileid.u32;
	s3 =	rddreg [dreg:$0x0]  }
0x3: {  	s2 =	simm.s32 $0x0;
	s11 =	simm.s32 $0x1480;
	s12 =	simm.s32 $0x1  }
0x4: {  	s13 =	simm.s32 $0x80;
	s14 =	simm.s32 $0x3;
	s15 =	simm.s32 $0x2  }
0x5: {  	s16 =	simm.s32 $0x4;
	s17 =	simm.s32 $0xC00;
	s18 =	simm.s32 $0x0  }
0x6: {  	s4 =	sand.u32 $0x1, s1;
	s5 =	sshll.u32 s0, $0x1;
	s1 =	rddreg [dreg:$0x1]  }
0x7: {  	[smem:$0x7FF] =	sst s2;
	s7 =	smul.u32 $0x1900, s0;
	s8 =	sadd.s32 $0x2600, s3  }
0x8: {  	s5 =	sor.u32 s4, s5;
	s9 =	smul.u32 $0xC80, s4;
	s4 =	ssub.s32 $0x2, s4  }
0x9: {  	_ =	strace $0x8000004A;
	s6 =	smul.u32 $0xC80, s5;
	s10 =	sshrl.u32 s4, $0x1  }
0xa: {  	s5 =	smul.u32 $0x1900, s5;
	s7 =	sadd.s32 s9, s7;
	s31 =	ssub.s32 s4, s10  }
0xb: {  	s9 =	simm.s32 $0x5;
	s10 =	simm.s32 $0xC80;
	s6 =	sshrl.u32 s6, $0x3  }
0xc: {  	s7 =	sshll.u32 s7, $0x1;
	s5 =	sadd.s32 s8, s5;
	s6 =	sadd.s32 s6, s3  }
0xd: {  	s3 =	sadd.s32 $0x34600, s3;
	s8 =	sadd.s32 s8, s7;
	s4 =	sadd.s32 $0x189000, s6  }
0xe: {  	s6 =	smax.u32 s31, $0x1;
	s7 =	sadd.s32 $0x200, s8;
	s8 =	sadd.s32 $0x100, s8  }
.LBB2_1:
0xf: {  	[tilespmem:s2], [sflag:$0x5] =	stream.linear.gather [hbm4b:s4+s2], $0xC80, $0x38;
	[tilespmem:$0x1C80] =	vst v63  }
0x10: {  	_ =	swait.ge [sflag:s9], $0xC80  }
0x11: {  	[sflag:s9] =	ssyncset.done $0x0  }
0x12: {  	[sflag:s9] =	ssyncadd.s32 $0xFFFFF380  }
0x13: {  	[tilespmem:s10], [sflag:$0x1] =	stream.linear.gather [hbm4b:s5+s2], $0x800, $0x38;
	[tilespmem:$0x1C80] =	vst v63  }
0x14: {  	s19 =	sadd.s32 $0x0, s8  }
0x15: {  	[tilespmem:s11], [sflag:$0x2] =	stream.linear.gather [hbm4b:s19+s2], $0x800, $0x38;
	[tilespmem:$0x1C80] =	vst v63  }
0x16: {  	_ =	swait.ge [sflag:s12], $0x800  }
0x17: {  	[sflag:s12] =	ssyncset.done $0x0  }
0x18: {  	[sflag:s12] =	ssyncadd.s32 $0xFFFFF800  }
0x19: {  	[hbm4b:s3+s13] =	stream.indirect.scatter [tilespmem:s10], [sflag:$0x3], $0x10, s2, s13, $0xb8;
	[tilespmem:$0x1C80] =	vst v63  }
0x1a: {  	_ =	swait.ge [sflag:s14], $0x800  }
0x1b: {  	[sflag:s14] =	ssyncset.done $0x0  }
0x1c: {  	s30 =	sadd.s32 $0x0, s7;
	[sflag:s14] =	ssyncadd.s32 $0xFFFFF800  }
0x1d: {  	[tilespmem:s10], [sflag:$0x1] =	stream.linear.gather [hbm4b:s30+s2], $0x800, $0x38;
	[tilespmem:$0x1C80] =	vst v63  }
0x1e: {  	_ =	swait.ge [sflag:s15], $0x800  }
0x1f: {  	[sflag:s15] =	ssyncset.done $0x0  }
0x20: {  	s31 =	simm.s32 $0x80;
	[sflag:s15] =	ssyncadd.s32 $0xFFFFF800  }
0x21: {  	[hbm4b:s3+s13] =	stream.indirect.scatter [tilespmem:s11], [sflag:$0x4], $0x10, s31, s13, $0xb8;
	[tilespmem:$0x1C80] =	vst v63  }
0x22: {  	s20 =	simm.s32 $0x200;
	_ =	swait.ge [sflag:s16], $0x800  }
0x23: {  	s21 =	simm.s32 $0x400;
	s19 =	simm.s32 $0x100;
	[sflag:s16] =	ssyncset.done $0x0  }
.LBB2_2:
0x24: {  	s22 =	sadd.s32 s20, s8  }
0x25: {  	[sflag:s16] =	ssyncadd.s32 $0xFFFFF800;
	s23 =	smov.u32 s21;
	s24 =	sadd.s32 $0x200, s21  }
0x26: {  	[tilespmem:s11], [sflag:$0x2] =	stream.linear.gather [hbm4b:s22+s2], $0x800, $0x38;
	[tilespmem:$0x1C80] =	vst v63  }
0x27: {  	p0 =	sne.s32 s21, $0x1600;
	_ =	swait.ge [sflag:s12], $0x800  }
0x28: {  	[sflag:s12] =	ssyncset.done $0x0  }
0x29: {  	[sflag:s12] =	ssyncadd.s32 $0xFFFFF800  }
0x2a: {  	[hbm4b:s3+s13] =	stream.indirect.scatter [tilespmem:s10], [sflag:$0x3], $0x10, s19, s13, $0xb8;
	[tilespmem:$0x1C80] =	vst v63  }
0x2b: {  	_ =	swait.ge [sflag:s14], $0x800  }
0x2c: {  	[sflag:s14] =	ssyncset.done $0x0  }
0x2d: {  	s21 =	sadd.s32 s20, s7;
	s20 =	smov.u32 s23;
	[sflag:s14] =	ssyncadd.s32 $0xFFFFF800  }
0x2e: {  	[tilespmem:s10], [sflag:$0x1] =	stream.linear.gather [hbm4b:s21+s2], $0x800, $0x38;
	[tilespmem:$0x1C80] =	vst v63  }
0x2f: {  	_ =	swait.ge [sflag:s15], $0x800  }
.Ltmp0:
0x30: {  	[sflag:s15] =	ssyncset.done $0x0;
	(pc) =	sbr.rel @p0 .LBB2_2-.Ltmp0, $4  }
0x31: {  	s21 =	sadd.s32 $0x80, s19;
	[sflag:s15] =	ssyncadd.s32 $0xFFFFF800  }
0x32: {  	[hbm4b:s3+s13] =	stream.indirect.scatter [tilespmem:s11], [sflag:$0x4], $0x10, s21, s13, $0xb8;
	[tilespmem:$0x1C80] =	vst v63  }
0x33: {  	_ =	swait.ge [sflag:s16], $0x800  }
0x34: {  	s19 =	sadd.s32 $0x100, s19;
	s21 =	smov.u32 s24;
	[sflag:s16] =	ssyncset.done $0x0  }
0x35: {  	s21 =	sadd.s32 s20, s8;
	[sflag:s16] =	ssyncadd.s32 $0xFFFFF800  }
0x36: {  	[tilespmem:s11], [sflag:$0x2] =	stream.linear.gather [hbm4b:s21+s2], $0x800, $0x38;
	[tilespmem:$0x1C80] =	vst v63  }
0x37: {  	_ =	swait.ge [sflag:s12], $0x800  }
0x38: {  	[sflag:s12] =	ssyncset.done $0x0  }
0x39: {  	[sflag:s12] =	ssyncadd.s32 $0xFFFFF800  }
0x3a: {  	[hbm4b:s3+s13] =	stream.indirect.scatter [tilespmem:s10], [sflag:$0x3], $0x10, s19, s13, $0xb8;
	[tilespmem:$0x1C80] =	vst v63  }
0x3b: {  	_ =	swait.ge [sflag:s14], $0x800  }
0x3c: {  	[sflag:s14] =	ssyncset.done $0x0  }
0x3d: {  	s30 =	sadd.s32 s20, s7;
	[sflag:s14] =	ssyncadd.s32 $0xFFFFF800  }
0x3e: {  	[tilespmem:s10], [sflag:$0x1] =	stream.linear.gather [hbm4b:s30+s2], $0x800, $0x38;
	[tilespmem:$0x1C80] =	vst v63  }
0x3f: {  	_ =	swait.ge [sflag:s15], $0x800  }
0x40: {  	[sflag:s15] =	ssyncset.done $0x0  }
0x41: {  	s31 =	sadd.s32 $0x80, s19;
	[sflag:s15] =	ssyncadd.s32 $0xFFFFF800  }
0x42: {  	[hbm4b:s3+s13] =	stream.indirect.scatter [tilespmem:s11], [sflag:$0x4], $0x10, s31, s13, $0xb8;
	[tilespmem:$0x1C80] =	vst v63  }
0x43: {  	_ =	swait.ge [sflag:s16], $0x800  }
0x44: {  	[sflag:s16] =	ssyncset.done $0x0  }
0x45: {  	[sflag:s16] =	ssyncadd.s32 $0xFFFFF800  }
0x46: {  	s18 =	sadd.s32 $0x1, s18;
	_ =	swait.ge [sflag:s12], $0x800  }
0x47: {  	p0 =	sne.s32 s18, s6;
	[sflag:s12] =	ssyncset.done $0x0  }
.Ltmp1:
0x48: {  	[sflag:s12] =	ssyncadd.s32 $0xFFFFF800;
	(pc) =	sbr.rel @p0 .LBB2_1-.Ltmp1, $4  }
0x49: {  	[hbm4b:s3+s13] =	stream.indirect.scatter [tilespmem:s10], [sflag:$0x3], $0x10, s17, s13, $0xb8;
	[tilespmem:$0x1C80] =	vst v63  }
0x4a: {  	_ =	swait.ge [sflag:s14], $0x800  }
0x4b: {  	[sflag:s14] =	ssyncset.done $0x0  }
0x4c: {  	[sflag:s14] =	ssyncadd.s32 $0xFFFFF800  }
0x4d: {  	_ =	sfence.sel $0x180000  }
0x4e: {  	[bflag:$0x0] =	sbarrier.arrive $0xFFFF  }
0x4f: {  	p0 =	sne.s32 s0, $0x0;
	_ =	strace $0x9000004A  }
0x50: {  	s0 =	sadd.s32 @!p0 $0x100000, s1;
	[bflag:$0x2] =	sbarrier.arrive $0xFFFF  }
0x51: {  	[sflag:s0] =	ssyncadd.tile.s32 @!p0 $0x1;
	_ =	shalt  }
.Lfunc_end2:
_tile_overlayer_lowered:
.L_overlay_start_2:
0x52: {  	(tag) =	ssettag $0x2  }
0x53: {  	s0 =	rddreg [dreg:$0x0];
	s2 =	stileid.u32  }
0x54: {  	s1 =	rddreg [dreg:$0x1];
	p0 =	sne.s32 s2, $0x0  }
0x55: {  	s3 =	rddreg [dreg:$0x2];
	[bflag:$0x3] =	sbarrier.arrive $0xFFFF;
	s2 =	simm.s32 @!p0 $0x1C05  }
0x56: {  	[timem:s3], [sflag:s2] =	dma.local @!p0 [hbm:s0], s1  }
0x57: {  	s0 =	simm.s32 @!p0 $0x5  }
0x58: {  	_ =	swait.ge @!p0 [sflag:s0], s1  }
0x59: {  	s1 =	ssub.s32 @!p0 $0x0, s1;
	[sflag:s0] =	ssyncset.done @!p0 $0x0  }
0x5a: {  	[sflag:s0] =	ssyncadd.s32 @!p0 s1  }
0x5b: {  	[bflag:$0x3] =	sbarrier.arrive $0xFFFF  }
0x5c: {  	_ =	shalt  }

// kernel: kernel.7.cloned.1.call-start
scs
__scs_entry_jumppad:
0x0: {  	(pc) =	sbr.rel $0x88, $3  }
0x1: {  	(tag) =	ssettag $0x0;
	lr =	simm.s32 $0x1  }
0x2: {  	[smem:$0x3F94] =	sst lr;
	_ =	strace $0xD0000000  }
0x3: {  	_ = 	snop  }
0x4: {  	_ = 	snop  }
0x5: {  	_ = 	snop  }
0x6: {  	_ = 	snop  }
0x7: {  	_ = 	snop  }
__scs_overlays_trampoline_lowered:
0x8: {  	[smem:$0x3FA3] =	sst s0  }
0x9: {  	[smem:$0x3FA4] =	sst s1  }
0xa: {  	[smem:$0x3FA5] =	sst s2  }
0xb: {  	[smem:$0x3FA6] =	sst s3  }
0xc: {  	[smem:$0x3FA7] =	sst s4  }
0xd: {  	[smem:$0x3FA8] =	sst s5  }
0xe: {  	[smem:$0x3FA9] =	sst s6  }
0xf: {  	[smem:$0x3FAA] =	sst s7  }
0x10: {  	[smem:$0x3FAB] =	sst s8  }
0x11: {  	[smem:$0x3FAC] =	sst s9;
	s0 =	simm.s32 @!p0 $0x0  }
0x12: {  	s1 =	sld [smem:$0x3F92];
	s0 =	simm.s32 @p0 $0x1  }
0x13: {  	[smem:$0x3FAD] =	sst s0;
	s0 =	simm.s32 @!p1 $0x0  }
0x14: {  	s2 =	sld [smem:$0x3F91];
	s0 =	simm.s32 @p1 $0x1  }
0x15: {  	[smem:$0x3FAE] =	sst s0;
	s0 =	simm.s32 @!p2 $0x0  }
0x16: {  	s3 =	sld [smem:$0x3FDB];
	s0 =	simm.s32 @p2 $0x1  }
0x17: {  	s4 =	simm.s32 $0x1BF5;
	[smem:$0x3FB0] =	sst s0  }
0x18: {  	s0 =	sld [smem:$0x3F93];
	_ =	swait.ge [sflag:s4], $0x0  }
0x19: {  	s7 =	sld [smem:$0x3F94]  }
0x1a: {  	s8 =	sadd.s32 $0xFFFFE003, lr  }
0x1b: {  	s9 =	sadd.s32 $0xFFFFFEF7, lr;
	s5 =	simm.s32 $0xFFFFFFFF;
	p2 =	slt.u32 s8, $0xFFFFF086  }
0x1c: {  	p1 =	slt.u32 s9, $0xF7A;
	s5 =	simm.s32 @!p2 $0x0  }
0x1d: {  	s5 =	simm.s32 @p1 $0x1;
	p0 =	seq.s32 s7, s2  }
0x1e: {  	s7 =	smul.u32 @!p0 $0xF7A, s2;
	p2 =	seq.s32 @!p0 s5, $0x0  }
0x1f: {  	s9 =	smul.u32 $0xF7A, s1;
	s8 =	simm.s32 @!p0 $0x1BF5;
	p2 =	por !p2, p0  }
0x20: {  	[sflag:s8] =	ssyncset.s32 @!p0 $0xFFFFF086;
	s6 =	sadd.s32 @!p0 s3, s7;
	s7 =	simm.s32 @!p0 $0x108  }
0x21: {  	s3 =	sadd.s32 s3, s9;
	s6 =	sadd.s32 @!p0 $0x88, s6;
	s7 =	simm.s32 @p2 $0x1082  }
0x22: {  	[simem:s7], [sflag:s8] =	dma.local @!p0 [hbm:s6], $0xF7A  }
0x23: {  	s9 =	sor.u32 $0xD0000000, s2;
	s6 =	simm.s32 $0x108;
	_ =	swait.ge @!p0 [sflag:s8], $0x0  }
0x24: {  	s3 =	sadd.s32 $0x88, s3;
	s6 =	simm.s32 @!p1 $0x1082;
	[sflag:s4] =	ssyncset.s32 $0xFFFFF086  }
0x25: {  	[simem:s6], [sflag:s4] =	dma.local [hbm:s3], $0xF7A  }
0x26: {  	[smem:$0x3F94] =	sst s1;
	(tag) =	ssettag s2;
	_ =	strace s9  }
0x27: {  	s1 =	sld [smem:$0x3FA4]  }
0x28: {  	s2 =	sld [smem:$0x3FA5]  }
0x29: {  	s4 =	sld [smem:$0x3FA7]  }
0x2a: {  	p0 =	seq.s32 s5, $0x0;
	s5 =	sld [smem:$0x3FA8]  }
0x2b: {  	s6 =	sld [smem:$0x3FA9]  }
0x2c: {  	s7 =	sld [smem:$0x3FAA]  }
0x2d: {  	s3 =	simm.s32 $0x108;
	s8 =	sld [smem:$0x3FAB]  }
0x2e: {  	s3 =	simm.s32 @!p0 $0x1082;
	s9 =	sld [smem:$0x3FAC]  }
0x2f: {  	lr =	sadd.s32 s0, s3;
	s0 =	sld [smem:$0x3FA3]  }
0x30: {  	s3 =	sld [smem:$0x3FA6]  }
0x31: {  	[smem:$0x3FAF] =	sst s10  }
0x32: {  	s10 =	sld [smem:$0x3FAD];
	_ =	sdelay $0x3  }
0x33: {  	p0 =	seq.s32 s10, $0x1;
	s10 =	sld [smem:$0x3FAF];
	_ =	sdelay $0x3  }
0x34: {  	[smem:$0x3FAF] =	sst s10  }
0x35: {  	s10 =	sld [smem:$0x3FAE];
	_ =	sdelay $0x3  }
0x36: {  	p1 =	seq.s32 s10, $0x1;
	s10 =	sld [smem:$0x3FAF];
	_ =	sdelay $0x3  }
0x37: {  	[smem:$0x3FAF] =	sst s10  }
0x38: {  	s10 =	sld [smem:$0x3FB0]  }
0x39: {  	_ = 	snop;
	(pc) =	sbr.ind lr, $3  }
0x3a: {  	_ = 	snop  }
0x3b: {  	_ = 	snop  }
0x3c: {  	p2 =	seq.s32 s10, $0x1;
	s10 =	sld [smem:$0x3FAF]  }
0x3d: {  	_ =	shalt  }
0x3e: {  	_ =	shalt  }
0x3f: {  	_ =	shalt  }
0x40: {  	_ =	shalt  }
0x41: {  	_ =	shalt  }
0x42: {  	_ =	shalt  }
0x43: {  	_ =	shalt  }
0x44: {  	_ =	shalt  }
0x45: {  	_ =	shalt  }
0x46: {  	_ =	shalt  }
0x47: {  	_ =	shalt  }
0x48: {  	_ =	shalt  }
0x49: {  	_ =	shalt  }
0x4a: {  	_ =	shalt  }
0x4b: {  	_ =	shalt  }
0x4c: {  	_ =	shalt  }
0x4d: {  	_ =	shalt  }
0x4e: {  	_ =	shalt  }
0x4f: {  	_ =	shalt  }
0x50: {  	_ =	shalt  }
0x51: {  	_ =	shalt  }
0x52: {  	_ =	shalt  }
0x53: {  	_ =	shalt  }
0x54: {  	_ =	shalt  }
0x55: {  	_ =	shalt  }
0x56: {  	_ =	shalt  }
0x57: {  	_ =	shalt  }
0x58: {  	_ =	shalt  }
0x59: {  	_ =	shalt  }
0x5a: {  	_ =	shalt  }
0x5b: {  	_ =	shalt  }
0x5c: {  	_ =	shalt  }
0x5d: {  	_ =	shalt  }
0x5e: {  	_ =	shalt  }
0x5f: {  	_ =	shalt  }
0x60: {  	_ =	shalt  }
0x61: {  	_ =	shalt  }
0x62: {  	_ =	shalt  }
0x63: {  	_ =	shalt  }
0x64: {  	_ =	shalt  }
0x65: {  	_ =	shalt  }
0x66: {  	_ =	shalt  }
0x67: {  	_ =	shalt  }
0x68: {  	_ =	shalt  }
0x69: {  	_ =	shalt  }
0x6a: {  	_ =	shalt  }
0x6b: {  	_ =	shalt  }
0x6c: {  	_ =	shalt  }
0x6d: {  	_ =	shalt  }
0x6e: {  	_ =	shalt  }
0x6f: {  	_ =	shalt  }
0x70: {  	_ =	shalt  }
0x71: {  	_ =	shalt  }
0x72: {  	_ =	shalt  }
0x73: {  	_ =	shalt  }
0x74: {  	_ =	shalt  }
0x75: {  	_ =	shalt  }
0x76: {  	_ =	shalt  }
0x77: {  	_ =	shalt  }
0x78: {  	_ =	shalt  }
0x79: {  	_ =	shalt  }
0x7a: {  	_ =	shalt  }
0x7b: {  	_ =	shalt  }
0x7c: {  	_ =	shalt  }
0x7d: {  	_ =	shalt  }
0x7e: {  	_ =	shalt  }
0x7f: {  	_ =	shalt  }
0x80: {  	_ =	shalt  }
0x81: {  	_ =	shalt  }
0x82: {  	_ =	shalt  }
0x83: {  	_ =	shalt  }
0x84: {  	_ =	shalt  }
0x85: {  	_ =	shalt  }
0x86: {  	_ =	shalt  }
0x87: {  	_ =	shalt  }
.Lfunc_end0:
.L_simem_size_0:
called_computation_lowered:
.L_overlay_start_0:
0x88: {  	s2 =	sld [smem:$0x3FD9]  }
0x89: {  	s3 =	sld [smem:$0x3FFE];
	_ =	sdelay $0x1  }
0x8a: {  	s1 =	srdreg.scid  }
0x8b: {  	s0 =	sand.u32 $0x1, s1  }
0x8c: {  	s17 =	sshll.u32 s0, $0xA;
	s2 =	sadd.s32 s3, s2  }
0x8d: {  	s2 =	sadd.s32 s2, s17  }
0x8e: {  	[smem:$0x3FBB] =	sst s2  }
0x8f: {  	_ = 	snop  }
0x90: {  	s2 =	sld [smem:$0x3FD0];
	(tm) =	ssettm $0x1  }
0x91: {  	s18 =	sld [smem:$0x3FFB];
	_ =	sdelay $0x3  }
0x92: {  	_ =	strace s18  }
0x93: {  	s3 =	sld [smem:$0x3FFC];
	_ =	sdelay $0x3  }
0x94: {  	_ =	strace s3  }
0x95: {  	s3 =	sld [smem:$0x3FFD];
	_ =	sdelay $0x3  }
0x96: {  	_ =	strace s3  }
0x97: {  	_ =	strace $0x8FFFFFFF  }
0x98: {  	s19 =	sld [smem:$0x3FDB];
	_ =	sdelay $0x1  }
0x99: {  	s4 =	simm.s32 $_scs_section_size  }
0x9a: {  	s5 =	simm.s32 $_size__tile_overlayer_lowered;
	s6 =	simm.s32 $_tile_overlayer_lowered  }
0x9b: {  	s22 =	simm.s32 $0x1BFF;
	s21 =	sshll.u32 s6, $0x1;
	s3 =	sadd.s32 s4, s19  }
0x9c: {  	s7 =	simm.s32 $0x0;
	s20 =	sshll.u32 s5, $0x1;
	s5 =	sadd.s32 s21, s3  }
0x9d: {  	[timem:s7], [sflag:s22] =	dma.local [hbm:s5], s20  }
0x9e: {  	_ =	swait.ge [sflag:s22], s20  }
0x9f: {  	s4 =	ssub.s32 $0x0, s20;
	[sflag:s22] =	ssyncset.done $0x0  }
0xa0: {  	[sflag:s22] =	ssyncadd.s32 s4;
	_ =	sdelay $0x1  }
0xa1: {  	s23 =	simm.s32 $0x1B8B  }
0xa2: {  	_ =	swait.ge [sflag:s23], $0x1  }
0xa3: {  	[sflag:s23] =	ssyncset.done $0x0  }
0xa4: {  	s25 =	simm.s32 $0x1B8E;
	s24 =	sld [smem:$0x3FFE];
	[sflag:s23] =	ssyncadd.s32 $0xFFFFFFFF  }
0xa5: {  	s26 =	simm.s32 $execute0_lowered;
	[smem:$0x3FD2] =	sst s25  }
0xa6: {  	s5 =	sshll.u32 s26, $0x1;
	_ =	strace $0x80000046;
	[dreg:$0x1] =	wrdreg $0xFFFFFFFF  }
0xa7: {  	s28 =	simm.s32 $_size_execute0_lowered;
	s3 =	sadd.s32 s3, s5;
	[dreg:$0x0] =	wrdreg $0x0  }
0xa8: {  	s5 =	sshll.u32 s28, $0x1;
	[dreg:$0x2] =	wrdreg s3  }
0xa9: {  	[dreg:$0x3] =	wrdreg s5  }
0xaa: {  	[dreg:$0x4] =	wrdreg $0xC0  }
0xab: {  	_ =	task [dreg:s7], $0x5FFFF  }
0xac: {  	[dreg:$0x1] =	wrdreg $0xFFFFFFFF  }
0xad: {  	[dreg:$0x0] =	wrdreg $0x60  }
0xae: {  	[dreg:$0x2] =	wrdreg s24  }
0xaf: {  	[dreg:$0x3] =	wrdreg s2  }
0xb0: {  	[dreg:$0x4] =	wrdreg $0x9  }
0xb1: {  	_ =	task.clear_ibuf [dreg:s7], $0x5FFFF;
	_ =	strace $0x90000046  }
0xb2: {  	s29 =	simm.s32 $0x9;
	_ =	strace $0x80000048  }
0xb3: {  	_ =	swait.ge [sflag:s29], $0x1  }
0xb4: {  	[sflag:s29] =	ssyncadd.s32 $0xFFFFFFFF  }
0xb5: {  	_ =	strace $0x90000048  }
0xb6: {  	_ =	sfence  }
0xb7: {  	s30 =	sld [smem:$0x0];
	_ =	sdelay $0x2  }
0xb8: {  	s31 =	sshll.u32 s1, $0xD;
	s1 =	sshrl.u32 s1, $0x2  }
0xb9: {  	s3 =	sand.u32 $0x4000, s31;
	s1 =	sadd.s32 s1, s30  }
0xba: {  	s0 =	sor.u32 s3, s0;
	s1 =	sshll.u32 s1, $0x11  }
0xbb: {  	s0 =	sor.u32 s1, s0  }
0xbc: {  	s0 =	sadd.s32 $0x8F2B, s0  }
0xbd: {  	[sflag:s0] =	ssyncadd.remote.s32 $0x1  }
0xbe: {  	_ =	sfence.sel $0xFFFF  }
0xbf: {  	[dreg:$0x0] =	wrdreg $0xFFFFFFFF;
	(pc) =	sbr.abs _section_cstart, $3  }
0xc0: {  	[dreg:$0x1] =	wrdreg $0xFFFFFFFF  }
0xc1: {  	_ =	task.clear_ibuf [dreg:s7], $0x2FFFF;
	_ =	strace $0x9FFFFFFF  }
0xc2: {  	(tm) =	ssettm $0x7FFFFFFF  }
0xc3: {  	_ =	shalt  }
tec
execute0_lowered:
.L_overlay_start_1:
0x0: {  	(tag) =	ssettag $0x1  }
0x1: {  	s4 =	rddreg [dreg:$0x0]  }
0x2: {  	s5 =	rddreg [dreg:$0x1]  }
0x3: {  	s0 =	rddreg [dreg:$0x2];
	s3 =	srdreg.scid  }
0x4: {  	s1 =	stileid.u32;
	s2 =	simm.s32 $0x0;
	s13 =	simm.s32 $0x1  }
0x5: {  	s14 =	simm.s32 $0x2;
	s15 =	simm.s32 $0x0;
	s6 =	sand.u32 $0x1, s3  }
0x6: {  	s23 =	sshll.u32 s1, $0x1;
	[smem:$0x7FF] =	sst s2;
	s11 =	smul.u32 $0xC8000, s1  }
0x7: {  	s3 =	sadd.s32 $0x2600, s4;
	s12 =	sadd.s32 $0x18C200, s4;
	s28 =	smul.u32 $0x19000, s1  }
0x8: {  	s7 =	sor.u32 s6, s23;
	s8 =	ssub.s32 $0x2, s6;
	s24 =	smul.u32 $0x64000, s6  }
0x9: {  	_ =	strace $0x80000047;
	s30 =	smul.u32 $0xC800, s6;
	s10 =	sshrl.u32 s8, $0x1  }
0xa: {  	s9 =	smul.u32 $0x64000, s7;
	s25 =	sshll.u32 s7, $0x9;
	s8 =	ssub.s32 s8, s10  }
0xb: {  	s4 =	sadd.s32 s5, s25;
	s10 =	sadd.s32 s24, s11;
	s11 =	simm.s32 $0x1000  }
0xc: {  	s26 =	sshrl.u32 s9, $0x3;
	s9 =	sadd.s32 s28, s12;
	s6 =	smax.u32 s8, $0x1  }
0xd: {  	s31 =	sshrl.u32 s10, $0x3;
	s10 =	simm.s32 $0x80;
	s29 =	sadd.s32 s12, s26  }
0xe: {  	s9 =	sadd.s32 s30, s9;
	s7 =	sadd.s32 s31, s12;
	s12 =	simm.s32 $0x5000  }
0xf: {  	s5 =	sadd.s32 $0xC000, s29;
	s8 =	sadd.s32 $0x800, s9;
	s9 =	simm.s32 $0x3  }
.LBB2_1:
0x10: {  	[tilespmem:s2], [sflag:$0x3] =	stream.linear.gather [hbm4b:s4+s2], $0xC80, $0x38;
	[tilespmem:$0x9000] =	vst v63  }
0x11: {  	_ =	swait.ge [sflag:s9], $0xC80  }
0x12: {  	[sflag:s9] =	ssyncset.done $0x0  }
0x13: {  	[sflag:s9] =	ssyncadd.s32 $0xFFFFF380  }
0x14: {  	[tilespmem:s11], [sflag:$0x1] =	stream.indirect.gather [hbm4b:s3+s10], $0x80, s2, s10, $0xb8;
	[tilespmem:$0x9000] =	vst v63  }
0x15: {  	s16 =	simm.s32 $0x80  }
0x16: {  	[tilespmem:s12], [sflag:$0x2] =	stream.indirect.gather [hbm4b:s3+s10], $0x80, s16, s10, $0xb8;
	[tilespmem:$0x9000] =	vst v63  }
0x17: {  	_ =	swait.ge [sflag:s13], $0x4000  }
0x18: {  	[sflag:s13] =	ssyncset.done $0x0  }
0x19: {  	s29 =	sadd.s32 $0x0, s7;
	[sflag:s13] =	ssyncadd.s32 $0xFFFFC000  }
0x1a: {  	[hbm4b:s29+s2] =	stream.linear.scatter [tilespmem:s11], [sflag:$0x3], $0x4000, $0x38;
	[tilespmem:$0x9000] =	vst v63  }
0x1b: {  	_ =	swait.ge [sflag:s9], $0x4000  }
0x1c: {  	[sflag:s9] =	ssyncset.done $0x0  }
0x1d: {  	s30 =	simm.s32 $0x100;
	[sflag:s9] =	ssyncadd.s32 $0xFFFFC000  }
0x1e: {  	[tilespmem:s11], [sflag:$0x1] =	stream.indirect.gather [hbm4b:s3+s10], $0x80, s30, s10, $0xb8;
	[tilespmem:$0x9000] =	vst v63  }
0x1f: {  	_ =	swait.ge [sflag:s14], $0x4000  }
0x20: {  	[sflag:s14] =	ssyncset.done $0x0  }
0x21: {  	s31 =	sadd.s32 $0x0, s8;
	[sflag:s14] =	ssyncadd.s32 $0xFFFFC000  }
0x22: {  	[hbm4b:s31+s2] =	stream.linear.scatter [tilespmem:s12], [sflag:$0x3], $0x4000, $0x38;
	[tilespmem:$0x9000] =	vst v63  }
0x23: {  	s18 =	simm.s32 $0x2000;
	_ =	swait.ge [sflag:s9], $0x4000  }
0x24: {  	s17 =	simm.s32 $0x200;
	s16 =	simm.s32 $0x1000;
	[sflag:s9] =	ssyncset.done $0x0  }
.LBB2_2:
0x25: {  	p0 =	sne.s32 s18, $0xB000;
	s19 =	sadd.s32 $0xFFFFFF80, s17;
	[sflag:s9] =	ssyncadd.s32 $0xFFFFC000  }
0x26: {  	[tilespmem:s12], [sflag:$0x2] =	stream.indirect.gather [hbm4b:s3+s10], $0x80, s19, s10, $0xb8;
	[tilespmem:$0x9000] =	vst v63  }
0x27: {  	s19 =	smov.u32 s18;
	s18 =	sadd.s32 $0x1000, s18;
	_ =	swait.ge [sflag:s13], $0x4000  }
0x28: {  	[sflag:s13] =	ssyncset.done $0x0  }
0x29: {  	s20 =	sadd.s32 s16, s7;
	[sflag:s13] =	ssyncadd.s32 $0xFFFFC000  }
0x2a: {  	[hbm4b:s20+s2] =	stream.linear.scatter [tilespmem:s11], [sflag:$0x3], $0x4000, $0x38;
	[tilespmem:$0x9000] =	vst v63  }
0x2b: {  	_ =	swait.ge [sflag:s9], $0x4000  }
0x2c: {  	[sflag:s9] =	ssyncset.done $0x0  }
0x2d: {  	[sflag:s9] =	ssyncadd.s32 $0xFFFFC000  }
0x2e: {  	[tilespmem:s11], [sflag:$0x1] =	stream.indirect.gather [hbm4b:s3+s10], $0x80, s17, s10, $0xb8;
	[tilespmem:$0x9000] =	vst v63  }
0x2f: {  	_ =	swait.ge [sflag:s14], $0x4000  }
.Ltmp0:
0x30: {  	[sflag:s14] =	ssyncset.done $0x0;
	(pc) =	sbr.rel @p0 .LBB2_2-.Ltmp0, $4  }
0x31: {  	s20 =	sadd.s32 s16, s8;
	s16 =	smov.u32 s19;
	[sflag:s14] =	ssyncadd.s32 $0xFFFFC000  }
0x32: {  	[hbm4b:s20+s2] =	stream.linear.scatter [tilespmem:s12], [sflag:$0x3], $0x4000, $0x38;
	[tilespmem:$0x9000] =	vst v63  }
0x33: {  	_ =	swait.ge [sflag:s9], $0x4000  }
0x34: {  	s17 =	sadd.s32 $0x100, s17;
	[sflag:s9] =	ssyncset.done $0x0  }
0x35: {  	s18 =	sadd.s32 $0xFFFFFF80, s17;
	[sflag:s9] =	ssyncadd.s32 $0xFFFFC000  }
0x36: {  	[tilespmem:s12], [sflag:$0x2] =	stream.indirect.gather [hbm4b:s3+s10], $0x80, s18, s10, $0xb8;
	[tilespmem:$0x9000] =	vst v63  }
0x37: {  	_ =	swait.ge [sflag:s13], $0x4000  }
0x38: {  	[sflag:s13] =	ssyncset.done $0x0  }
0x39: {  	s30 =	sadd.s32 s16, s7;
	[sflag:s13] =	ssyncadd.s32 $0xFFFFC000  }
0x3a: {  	[hbm4b:s30+s2] =	stream.linear.scatter [tilespmem:s11], [sflag:$0x3], $0x4000, $0x38;
	[tilespmem:$0x9000] =	vst v63  }
0x3b: {  	_ =	swait.ge [sflag:s9], $0x4000  }
0x3c: {  	[sflag:s9] =	ssyncset.done $0x0  }
0x3d: {  	[sflag:s9] =	ssyncadd.s32 $0xFFFFC000  }
0x3e: {  	[tilespmem:s11], [sflag:$0x1] =	stream.indirect.gather [hbm4b:s3+s10], $0x80, s17, s10, $0xb8;
	[tilespmem:$0x9000] =	vst v63  }
0x3f: {  	_ =	swait.ge [sflag:s14], $0x4000  }
0x40: {  	[sflag:s14] =	ssyncset.done $0x0  }
0x41: {  	s31 =	sadd.s32 s16, s8;
	[sflag:s14] =	ssyncadd.s32 $0xFFFFC000  }
0x42: {  	[hbm4b:s31+s2] =	stream.linear.scatter [tilespmem:s12], [sflag:$0x3], $0x4000, $0x38;
	[tilespmem:$0x9000] =	vst v63  }
0x43: {  	_ =	swait.ge [sflag:s9], $0x4000  }
0x44: {  	[sflag:s9] =	ssyncset.done $0x0  }
0x45: {  	[sflag:s9] =	ssyncadd.s32 $0xFFFFC000  }
0x46: {  	s15 =	sadd.s32 $0x1, s15;
	_ =	swait.ge [sflag:s13], $0x4000  }
0x47: {  	p0 =	sne.s32 s15, s6;
	[sflag:s13] =	ssyncset.done $0x0  }
.Ltmp1:
0x48: {  	[sflag:s13] =	ssyncadd.s32 $0xFFFFC000;
	(pc) =	sbr.rel @p0 .LBB2_1-.Ltmp1, $4  }
0x49: {  	[hbm4b:s5+s2] =	stream.linear.scatter [tilespmem:s11], [sflag:$0x3], $0x4000, $0x38;
	[tilespmem:$0x9000] =	vst v63  }
0x4a: {  	_ =	swait.ge [sflag:s9], $0x4000  }
0x4b: {  	[sflag:s9] =	ssyncset.done $0x0  }
0x4c: {  	[sflag:s9] =	ssyncadd.s32 $0xFFFFC000  }
0x4d: {  	_ =	sfence.sel $0x180000  }
0x4e: {  	[bflag:$0x0] =	sbarrier.arrive $0xFFFF  }
0x4f: {  	p0 =	sne.s32 s1, $0x0;
	_ =	strace $0x90000047  }
0x50: {  	s0 =	sadd.s32 @!p0 $0x100000, s0;
	[bflag:$0x2] =	sbarrier.arrive $0xFFFF  }
0x51: {  	[sflag:s0] =	ssyncadd.tile.s32 @!p0 $0x1;
	_ =	shalt  }
.Lfunc_end2:
_tile_overlayer_lowered:
.L_overlay_start_2:
0x52: {  	(tag) =	ssettag $0x2  }
0x53: {  	s0 =	rddreg [dreg:$0x0];
	s2 =	stileid.u32  }
0x54: {  	s1 =	rddreg [dreg:$0x1];
	p0 =	sne.s32 s2, $0x0  }
0x55: {  	s3 =	rddreg [dreg:$0x2];
	[bflag:$0x3] =	sbarrier.arrive $0xFFFF;
	s2 =	simm.s32 @!p0 $0x1C03  }
0x56: {  	[timem:s3], [sflag:s2] =	dma.local @!p0 [hbm:s0], s1  }
0x57: {  	s0 =	simm.s32 @!p0 $0x3  }
0x58: {  	_ =	swait.ge @!p0 [sflag:s0], s1  }
0x59: {  	s1 =	ssub.s32 @!p0 $0x0, s1;
	[sflag:s0] =	ssyncset.done @!p0 $0x0  }
0x5a: {  	[sflag:s0] =	ssyncadd.s32 @!p0 s1  }
0x5b: {  	[bflag:$0x3] =	sbarrier.arrive $0xFFFF  }
0x5c: {  	_ =	shalt  }

</sc_bundles>
